<compile_context>
chip_gen: v7x
topology: tpu7x:2x2x1
jax: 0.10.2.dev20260603
libtpu: 0.0.44.dev20260713+nightly
codegen_flags: <defaults>
</compile_context>

<pallas_src>
import functools

import jax
import jax.numpy as jnp
from jax import lax
from jax.experimental import pallas as pl
from jax.experimental.pallas import tpu as pltpu
from jax.experimental.pallas import tpu_sc as plsc

_P = 64
_A = 16
_NC = 2
_NS = 16
_NW = _NC * _NS
_RPW = _P // _NW
_L = 16
_CHUNK = 5120
_QR = 128


def _sc_gather(W, tok):
    V = W.shape[1]
    N = tok.shape[0]
    mesh = plsc.VectorSubcoreMesh(
        core_axis_name="c", subcore_axis_name="s",
        num_cores=_NC, num_subcores=_NS)

    @functools.partial(
        pl.kernel,
        out_type=jax.ShapeDtypeStruct((_P, N), jnp.float32),
        mesh=mesh,
        compiler_params=pltpu.CompilerParams(needs_layout_passes=False),
        scratch_types=[
            pltpu.VMEM((N,), jnp.int32),
            pltpu.VMEM((V,), jnp.float32),
            pltpu.VMEM((_CHUNK,), jnp.float32),
            pltpu.VMEM((_CHUNK,), jnp.float32),
            pltpu.SemaphoreType.DMA,
            pltpu.SemaphoreType.DMA,
            pltpu.SemaphoreType.DMA,
            pltpu.SemaphoreType.DMA,
        ],
    )
    def sck(w_hbm, tok_hbm, ut_hbm, tok_v, w_v, out_v0, out_v1,
            sem_t, sem_w, sem_o0, sem_o1):
        wid = lax.axis_index("s") * _NC + lax.axis_index("c")
        ct = pltpu.async_copy(tok_hbm, tok_v, sem_t)
        bufs = (out_v0, out_v1)
        sems = (sem_o0, sem_o1)
        pending = [None, None]
        for r in range(_RPW):
            p = wid * _RPW + r
            cw = pltpu.async_copy(w_hbm.at[p], w_v, sem_w)
            if r == 0:
                ct.wait()
            cw.wait()
            for c in range(N // _CHUNK):
                j = (r * (N // _CHUNK) + c) % 2
                buf, sem = bufs[j], sems[j]
                if pending[j] is not None:
                    pending[j].wait()
                base = c * _CHUNK

                def g(i, _, buf=buf, base=base):
                    idx = tok_v[pl.ds(base + i * _L, _L)]
                    buf[pl.ds(i * _L, _L)] = plsc.load_gather(w_v, [idx])
                    return 0

                lax.fori_loop(0, _CHUNK // _L, g, 0, unroll=8)
                pending[j] = pltpu.async_copy(
                    buf, ut_hbm.at[p, pl.ds(base, _CHUNK)], sem)
        for h in pending:
            if h is not None:
                h.wait()

    return sck(W, tok)


def _tc_expand(UT, SPc, fT):
    N = UT.shape[1]
    PA = _P * _A

    def body(ut_ref, sp_ref, ft_ref, fh_ref, y_ref):
        q = pl.program_id(0)
        ut = ut_ref[...]
        fh = (ut >= sp_ref[...]).astype(jnp.float32)
        t = fh * ut
        ftv = ft_ref[...]
        tiled = jnp.concatenate([ftv] * (_QR // _A), axis=0)
        rr = lax.broadcasted_iota(jnp.int32, (_QR, _P), 0) + q * _QR
        pp = lax.broadcasted_iota(jnp.int32, (_QR, _P), 1)
        et_q = jnp.where(rr // _A == pp, tiled, 0.0)
        y_ref[...] = jnp.dot(et_q, t, preferred_element_type=jnp.float32)
        fh_ref[...] = fh

    return pl.pallas_call(
        body,
        grid=(PA // _QR,),
        in_specs=[
            pl.BlockSpec((_P, N), lambda q: (0, 0)),
            pl.BlockSpec((_P, 1), lambda q: (0, 0)),
            pl.BlockSpec((_A, _P), lambda q: (0, 0)),
        ],
        out_specs=[
            pl.BlockSpec((_P, N), lambda q: (0, 0)),
            pl.BlockSpec((_QR, N), lambda q: (q, 0)),
        ],
        out_shape=[
            jax.ShapeDtypeStruct((_P, N), jnp.float32),
            jax.ShapeDtypeStruct((PA, N), jnp.float32),
        ],
    )(UT, SPc, fT)


def kernel(input_ids, W, f, SP):
    B, T = input_ids.shape
    N = B * T
    tok = input_ids.reshape(N)
    UT = _sc_gather(W, tok)
    FhT, Y2T = _tc_expand(UT, SP.reshape(_P, 1), f.T)
    U = UT.T
    Fh = FhT.T
    Y = Y2T.reshape(_P, _A, N).transpose(2, 0, 1)
    return U, Fh, Y

# --- scband reference (transcript-rebuilt; emitter-appended) ---
"""Pipeline reference for scband-cepta-embedding-16234976379532 (READ-ONLY COPY).

The authoritative reference and input builder live on the scoring server;
editing this copy changes nothing except your own understanding.
"""

import jax, jax.numpy as jnp
import numpy as np

P = 64
V = 100000
A = 16
B = 1024
T = 20


def setup_inputs(seed: int = 0) -> dict:
    key = jax.random.key(seed)
    k1, k2, k3 = jax.random.split(key, 3)
    input_ids = jax.random.randint(k1, (B, T), 0, V, dtype=jnp.int32)
    # xavier_uniform-style init for W (P, V) and f (P, A)
    limW = np.sqrt(6.0 / (P + V))
    W = jax.random.uniform(k2, (P, V), dtype=jnp.float32, minval=-limW, maxval=limW)
    limf = np.sqrt(6.0 / (P + A))
    f = jax.random.uniform(k3, (P, A), dtype=jnp.float32, minval=-limf, maxval=limf)
    SP = jnp.zeros((P,), dtype=jnp.float32)
    return {"input_ids": input_ids, "W": W, "f": f, "SP": SP}


def reference(input_ids, W, f, SP):
    # CeptaEmbedding forward, use_index=True, gate='hard'
    # flatten (B, T) -> (B*T,)
    tok = input_ids.reshape(-1)
    # U[b*, p] = W[p, tok[b*]]  : gather columns of W then transpose
    U = jnp.take(W, tok, axis=1).T  # (B*T, P)
    # hard gate, detached (stop_gradient) exactly like Fhard.detach() in torch
    Fhard = jax.lax.stop_gradient((U >= SP[None, :]).astype(jnp.float32))
    t = Fhard * U  # (B*T, P)
    # Y = t outer f : (B*T, P, A)
    Y = t[:, :, None] * f[None, :, :]
    return U, Fhard.astype(Y.dtype), Y

if __name__ == "__main__":
    import jax
    _d = setup_inputs()
    print(jax.jit(kernel)(*tuple(_d.values())))

</pallas_src>

<mosaic_0001>
#map = affine_map<(d0, d1) -> (0, 0)>
#map1 = affine_map<(d0, d1) -> (0)>
module attributes {stable_mosaic.version = 14 : i64} {
  func.func @sck(%arg0: i32, %arg1: i32, %arg2: memref<64x100000xf32, #tpu.memory_space<hbm>>, %arg3: memref<20480xi32, #tpu.memory_space<hbm>>, %arg4: memref<64x20480xf32, #tpu.memory_space<hbm>>, %arg5: memref<20480xi32, #tpu.memory_space<vmem>>, %arg6: memref<100000xf32, #tpu.memory_space<vmem>>, %arg7: memref<5120xf32, #tpu.memory_space<vmem>>, %arg8: memref<5120xf32, #tpu.memory_space<vmem>>, %arg9: memref<!tpu.dma_semaphore, #tpu.memory_space<semaphore_mem>>, %arg10: memref<!tpu.dma_semaphore, #tpu.memory_space<semaphore_mem>>, %arg11: memref<!tpu.dma_semaphore, #tpu.memory_space<semaphore_mem>>, %arg12: memref<!tpu.dma_semaphore, #tpu.memory_space<semaphore_mem>>) attributes {dimension_semantics = [#tpu.dimension_semantics<core_parallel>, #tpu.dimension_semantics<subcore_parallel>], iteration_bounds = array<i64: 2, 16>, scalar_prefetch = 0 : i64, scratch_operands = 8 : i64, tpu.core_type = #tpu.core_type<sc_vector_subcore>, window_params = [{transform_indices = #map}, {transform_indices = #map1}, {transform_indices = #map}]} {
    %mul3A = arith.constant 2 : i32
    %mul3A_0 = arith.muli %arg1, %mul3A : i32
    %add3A = arith.addi %mul3A_0, %arg0 : i32
    tpu.enqueue_dma source(%arg3 : memref<20480xi32, #tpu.memory_space<hbm>>) target(%arg5 : memref<20480xi32, #tpu.memory_space<vmem>>) target_semaphore(%arg9 : memref<!tpu.dma_semaphore, #tpu.memory_space<semaphore_mem>>)
    %mul3A_1 = arith.constant 2 : i32
    %mul3A_2 = arith.muli %add3A, %mul3A_1 : i32
    %add3A_3 = arith.constant 0 : i32
    %add3A_4 = arith.addi %mul3A_2, %add3A_3 : i32
    %dma_start3A = arith.constant 0 : i32
    %dma_start3A_5 = tpu.memref_slice %arg2[%add3A_4, %dma_start3A] : memref<64x100000xf32, #tpu.memory_space<hbm>> -> memref<1x100000xf32, #tpu.memory_space<hbm>>
    %dma_start3A_6 = tpu.memref_squeeze %dma_start3A_5 : memref<1x100000xf32, #tpu.memory_space<hbm>> -> memref<100000xf32, #tpu.memory_space<hbm>>
    %dma_start3A_7 = arith.constant 0 : i32
    %dma_start3A_8 = tpu.memref_slice %arg2[%add3A_4, %dma_start3A_7] : memref<64x100000xf32, #tpu.memory_space<hbm>> -> memref<1x100000xf32, #tpu.memory_space<hbm>>
    %dma_start3A_9 = tpu.memref_squeeze %dma_start3A_8 : memref<1x100000xf32, #tpu.memory_space<hbm>> -> memref<100000xf32, #tpu.memory_space<hbm>>
    tpu.enqueue_dma source(%dma_start3A_9 : memref<100000xf32, #tpu.memory_space<hbm>>) target(%arg6 : memref<100000xf32, #tpu.memory_space<vmem>>) target_semaphore(%arg10 : memref<!tpu.dma_semaphore, #tpu.memory_space<semaphore_mem>>)
    tpu.wait_dma2 semaphore(%arg9 : memref<!tpu.dma_semaphore, #tpu.memory_space<semaphore_mem>>) src(%arg3 : memref<20480xi32, #tpu.memory_space<hbm>>) dst(%arg5 : memref<20480xi32, #tpu.memory_space<vmem>>)
    %dma_wait3A = arith.constant 0 : i32
    %dma_wait3A_10 = tpu.memref_slice %arg2[%add3A_4, %dma_wait3A] : memref<64x100000xf32, #tpu.memory_space<hbm>> -> memref<1x100000xf32, #tpu.memory_space<hbm>>
    %dma_wait3A_11 = tpu.memref_squeeze %dma_wait3A_10 : memref<1x100000xf32, #tpu.memory_space<hbm>> -> memref<100000xf32, #tpu.memory_space<hbm>>
    %dma_wait3A_12 = arith.constant 0 : i32
    %dma_wait3A_13 = tpu.memref_slice %arg2[%add3A_4, %dma_wait3A_12] : memref<64x100000xf32, #tpu.memory_space<hbm>> -> memref<1x100000xf32, #tpu.memory_space<hbm>>
    %dma_wait3A_14 = tpu.memref_squeeze %dma_wait3A_13 : memref<1x100000xf32, #tpu.memory_space<hbm>> -> memref<100000xf32, #tpu.memory_space<hbm>>
    tpu.wait_dma2 semaphore(%arg10 : memref<!tpu.dma_semaphore, #tpu.memory_space<semaphore_mem>>) src(%dma_wait3A_14 : memref<100000xf32, #tpu.memory_space<hbm>>) dst(%arg6 : memref<100000xf32, #tpu.memory_space<vmem>>)
    %scan3A = arith.constant 0 : i32
    %scan3A_15 = arith.constant 0 : i32
    %scan3A_16 = arith.constant 320 : i32
    %scan3A_17 = arith.addi %scan3A_15, %scan3A_16 : i32
    %scan3A_18 = arith.constant 8 : i32
    %scan3A_19 = scf.for %scan3A_182 = %scan3A_15 to %scan3A_17 step %scan3A_18 iter_args(%scan3A_183 = %scan3A) -> (i32)  : i32 {
      %mul3A_184 = arith.constant 16 : i32
      %mul3A_185 = arith.muli %scan3A_182, %mul3A_184 : i32
      %add3A_186 = arith.constant 0 : i32
      %add3A_187 = arith.addi %add3A_186, %mul3A_185 : i32
      %get3A = arith.index_cast %add3A_187 : i32 to index
      %get3A_188 = tpu.vector_load %arg5[%get3A] {strides = array<i32>} : memref<20480xi32, #tpu.memory_space<vmem>>, vector<16xi32>,
      %gather3A = tpu.vector_load_idx %arg6[%get3A_188] : memref<100000xf32, #tpu.memory_space<vmem>>[vector<16xi32>], vector<16xf32>,
      %mul3A_189 = arith.constant 16 : i32
      %mul3A_190 = arith.muli %scan3A_182, %mul3A_189 : i32
      %swap3A = arith.index_cast %mul3A_190 : i32 to index
      %swap3A_191 = tpu.vector_load %arg7[%swap3A] {strides = array<i32>} : memref<5120xf32, #tpu.memory_space<vmem>>, vector<16xf32>,
      tpu.vector_store %arg7[%swap3A], %gather3A {strides = array<i32>} : memref<5120xf32, #tpu.memory_space<vmem>>, vector<16xf32>,
      %scan3A_192 = arith.constant 0 : i32
      %scan3A_193 = arith.constant 1 : i32
      %scan3A_194 = arith.addi %scan3A_182, %scan3A_193 : i32
      %mul3A_195 = arith.constant 16 : i32
      %mul3A_196 = arith.muli %scan3A_194, %mul3A_195 : i32
      %add3A_197 = arith.constant 0 : i32
      %add3A_198 = arith.addi %add3A_197, %mul3A_196 : i32
      %get3A_199 = arith.index_cast %add3A_198 : i32 to index
      %get3A_200 = tpu.vector_load %arg5[%get3A_199] {strides = array<i32>} : memref<20480xi32, #tpu.memory_space<vmem>>, vector<16xi32>,
      %gather3A_201 = tpu.vector_load_idx %arg6[%get3A_200] : memref<100000xf32, #tpu.memory_space<vmem>>[vector<16xi32>], vector<16xf32>,
      %mul3A_202 = arith.constant 16 : i32
      %mul3A_203 = arith.muli %scan3A_194, %mul3A_202 : i32
      %swap3A_204 = arith.index_cast %mul3A_203 : i32 to index
      %swap3A_205 = tpu.vector_load %arg7[%swap3A_204] {strides = array<i32>} : memref<5120xf32, #tpu.memory_space<vmem>>, vector<16xf32>,
      tpu.vector_store %arg7[%swap3A_204], %gather3A_201 {strides = array<i32>} : memref<5120xf32, #tpu.memory_space<vmem>>, vector<16xf32>,
      %scan3A_206 = arith.constant 0 : i32
      %scan3A_207 = arith.constant 2 : i32
      %scan3A_208 = arith.addi %scan3A_182, %scan3A_207 : i32
      %mul3A_209 = arith.constant 16 : i32
      %mul3A_210 = arith.muli %scan3A_208, %mul3A_209 : i32
      %add3A_211 = arith.constant 0 : i32
      %add3A_212 = arith.addi %add3A_211, %mul3A_210 : i32
      %get3A_213 = arith.index_cast %add3A_212 : i32 to index
      %get3A_214 = tpu.vector_load %arg5[%get3A_213] {strides = array<i32>} : memref<20480xi32, #tpu.memory_space<vmem>>, vector<16xi32>,
      %gather3A_215 = tpu.vector_load_idx %arg6[%get3A_214] : memref<100000xf32, #tpu.memory_space<vmem>>[vector<16xi32>], vector<16xf32>,
      %mul3A_216 = arith.constant 16 : i32
      %mul3A_217 = arith.muli %scan3A_208, %mul3A_216 : i32
      %swap3A_218 = arith.index_cast %mul3A_217 : i32 to index
      %swap3A_219 = tpu.vector_load %arg7[%swap3A_218] {strides = array<i32>} : memref<5120xf32, #tpu.memory_space<vmem>>, vector<16xf32>,
      tpu.vector_store %arg7[%swap3A_218], %gather3A_215 {strides = array<i32>} : memref<5120xf32, #tpu.memory_space<vmem>>, vector<16xf32>,
      %scan3A_220 = arith.constant 0 : i32
      %scan3A_221 = arith.constant 3 : i32
      %scan3A_222 = arith.addi %scan3A_182, %scan3A_221 : i32
      %mul3A_223 = arith.constant 16 : i32
      %mul3A_224 = arith.muli %scan3A_222, %mul3A_223 : i32
      %add3A_225 = arith.constant 0 : i32
      %add3A_226 = arith.addi %add3A_225, %mul3A_224 : i32
      %get3A_227 = arith.index_cast %add3A_226 : i32 to index
      %get3A_228 = tpu.vector_load %arg5[%get3A_227] {strides = array<i32>} : memref<20480xi32, #tpu.memory_space<vmem>>, vector<16xi32>,
      %gather3A_229 = tpu.vector_load_idx %arg6[%get3A_228] : memref<100000xf32, #tpu.memory_space<vmem>>[vector<16xi32>], vector<16xf32>,
      %mul3A_230 = arith.constant 16 : i32
      %mul3A_231 = arith.muli %scan3A_222, %mul3A_230 : i32
      %swap3A_232 = arith.index_cast %mul3A_231 : i32 to index
      %swap3A_233 = tpu.vector_load %arg7[%swap3A_232] {strides = array<i32>} : memref<5120xf32, #tpu.memory_space<vmem>>, vector<16xf32>,
      tpu.vector_store %arg7[%swap3A_232], %gather3A_229 {strides = array<i32>} : memref<5120xf32, #tpu.memory_space<vmem>>, vector<16xf32>,
      %scan3A_234 = arith.constant 0 : i32
      %scan3A_235 = arith.constant 4 : i32
      %scan3A_236 = arith.addi %scan3A_182, %scan3A_235 : i32
      %mul3A_237 = arith.constant 16 : i32
      %mul3A_238 = arith.muli %scan3A_236, %mul3A_237 : i32
      %add3A_239 = arith.constant 0 : i32
      %add3A_240 = arith.addi %add3A_239, %mul3A_238 : i32
      %get3A_241 = arith.index_cast %add3A_240 : i32 to index
      %get3A_242 = tpu.vector_load %arg5[%get3A_241] {strides = array<i32>} : memref<20480xi32, #tpu.memory_space<vmem>>, vector<16xi32>,
      %gather3A_243 = tpu.vector_load_idx %arg6[%get3A_242] : memref<100000xf32, #tpu.memory_space<vmem>>[vector<16xi32>], vector<16xf32>,
      %mul3A_244 = arith.constant 16 : i32
      %mul3A_245 = arith.muli %scan3A_236, %mul3A_244 : i32
      %swap3A_246 = arith.index_cast %mul3A_245 : i32 to index
      %swap3A_247 = tpu.vector_load %arg7[%swap3A_246] {strides = array<i32>} : memref<5120xf32, #tpu.memory_space<vmem>>, vector<16xf32>,
      tpu.vector_store %arg7[%swap3A_246], %gather3A_243 {strides = array<i32>} : memref<5120xf32, #tpu.memory_space<vmem>>, vector<16xf32>,
      %scan3A_248 = arith.constant 0 : i32
      %scan3A_249 = arith.constant 5 : i32
      %scan3A_250 = arith.addi %scan3A_182, %scan3A_249 : i32
      %mul3A_251 = arith.constant 16 : i32
      %mul3A_252 = arith.muli %scan3A_250, %mul3A_251 : i32
      %add3A_253 = arith.constant 0 : i32
      %add3A_254 = arith.addi %add3A_253, %mul3A_252 : i32
      %get3A_255 = arith.index_cast %add3A_254 : i32 to index
      %get3A_256 = tpu.vector_load %arg5[%get3A_255] {strides = array<i32>} : memref<20480xi32, #tpu.memory_space<vmem>>, vector<16xi32>,
      %gather3A_257 = tpu.vector_load_idx %arg6[%get3A_256] : memref<100000xf32, #tpu.memory_space<vmem>>[vector<16xi32>], vector<16xf32>,
      %mul3A_258 = arith.constant 16 : i32
      %mul3A_259 = arith.muli %scan3A_250, %mul3A_258 : i32
      %swap3A_260 = arith.index_cast %mul3A_259 : i32 to index
      %swap3A_261 = tpu.vector_load %arg7[%swap3A_260] {strides = array<i32>} : memref<5120xf32, #tpu.memory_space<vmem>>, vector<16xf32>,
      tpu.vector_store %arg7[%swap3A_260], %gather3A_257 {strides = array<i32>} : memref<5120xf32, #tpu.memory_space<vmem>>, vector<16xf32>,
      %scan3A_262 = arith.constant 0 : i32
      %scan3A_263 = arith.constant 6 : i32
      %scan3A_264 = arith.addi %scan3A_182, %scan3A_263 : i32
      %mul3A_265 = arith.constant 16 : i32
      %mul3A_266 = arith.muli %scan3A_264, %mul3A_265 : i32
      %add3A_267 = arith.constant 0 : i32
      %add3A_268 = arith.addi %add3A_267, %mul3A_266 : i32
      %get3A_269 = arith.index_cast %add3A_268 : i32 to index
      %get3A_270 = tpu.vector_load %arg5[%get3A_269] {strides = array<i32>} : memref<20480xi32, #tpu.memory_space<vmem>>, vector<16xi32>,
      %gather3A_271 = tpu.vector_load_idx %arg6[%get3A_270] : memref<100000xf32, #tpu.memory_space<vmem>>[vector<16xi32>], vector<16xf32>,
      %mul3A_272 = arith.constant 16 : i32
      %mul3A_273 = arith.muli %scan3A_264, %mul3A_272 : i32
      %swap3A_274 = arith.index_cast %mul3A_273 : i32 to index
      %swap3A_275 = tpu.vector_load %arg7[%swap3A_274] {strides = array<i32>} : memref<5120xf32, #tpu.memory_space<vmem>>, vector<16xf32>,
      tpu.vector_store %arg7[%swap3A_274], %gather3A_271 {strides = array<i32>} : memref<5120xf32, #tpu.memory_space<vmem>>, vector<16xf32>,
      %scan3A_276 = arith.constant 0 : i32
      %scan3A_277 = arith.constant 7 : i32
      %scan3A_278 = arith.addi %scan3A_182, %scan3A_277 : i32
      %mul3A_279 = arith.constant 16 : i32
      %mul3A_280 = arith.muli %scan3A_278, %mul3A_279 : i32
      %add3A_281 = arith.constant 0 : i32
      %add3A_282 = arith.addi %add3A_281, %mul3A_280 : i32
      %get3A_283 = arith.index_cast %add3A_282 : i32 to index
      %get3A_284 = tpu.vector_load %arg5[%get3A_283] {strides = array<i32>} : memref<20480xi32, #tpu.memory_space<vmem>>, vector<16xi32>,
      %gather3A_285 = tpu.vector_load_idx %arg6[%get3A_284] : memref<100000xf32, #tpu.memory_space<vmem>>[vector<16xi32>], vector<16xf32>,
      %mul3A_286 = arith.constant 16 : i32
      %mul3A_287 = arith.muli %scan3A_278, %mul3A_286 : i32
      %swap3A_288 = arith.index_cast %mul3A_287 : i32 to index
      %swap3A_289 = tpu.vector_load %arg7[%swap3A_288] {strides = array<i32>} : memref<5120xf32, #tpu.memory_space<vmem>>, vector<16xf32>,
      tpu.vector_store %arg7[%swap3A_288], %gather3A_285 {strides = array<i32>} : memref<5120xf32, #tpu.memory_space<vmem>>, vector<16xf32>,
      %scan3A_290 = arith.constant 0 : i32
      scf.yield %scan3A_290 : i32
    }
    %scan3A_20 = arith.constant 320 : i32
    %dma_start3A_21 = arith.constant 0 : i32
    %dma_start3A_22 = tpu.memref_slice %arg4[%add3A_4, %dma_start3A_21] : memref<64x20480xf32, #tpu.memory_space<hbm>> -> memref<1x5120xf32, #tpu.memory_space<hbm>>
    %dma_start3A_23 = tpu.memref_squeeze %dma_start3A_22 : memref<1x5120xf32, #tpu.memory_space<hbm>> -> memref<5120xf32, #tpu.memory_space<hbm>>
    %dma_start3A_24 = arith.constant 0 : i32
    %dma_start3A_25 = tpu.memref_slice %arg4[%add3A_4, %dma_start3A_24] : memref<64x20480xf32, #tpu.memory_space<hbm>> -> memref<1x5120xf32, #tpu.memory_space<hbm>>
    %dma_start3A_26 = tpu.memref_squeeze %dma_start3A_25 : memref<1x5120xf32, #tpu.memory_space<hbm>> -> memref<5120xf32, #tpu.memory_space<hbm>>
    tpu.enqueue_dma source(%arg7 : memref<5120xf32, #tpu.memory_space<vmem>>) target(%dma_start3A_26 : memref<5120xf32, #tpu.memory_space<hbm>>) target_semaphore(%arg11 : memref<!tpu.dma_semaphore, #tpu.memory_space<semaphore_mem>>)
    %scan3A_27 = arith.constant 0 : i32
    %scan3A_28 = arith.constant 0 : i32
    %scan3A_29 = arith.constant 320 : i32
    %scan3A_30 = arith.addi %scan3A_28, %scan3A_29 : i32
    %scan3A_31 = arith.constant 8 : i32
    %scan3A_32 = scf.for %scan3A_182 = %scan3A_28 to %scan3A_30 step %scan3A_31 iter_args(%scan3A_183 = %scan3A_27) -> (i32)  : i32 {
      %mul3A_184 = arith.constant 16 : i32
      %mul3A_185 = arith.muli %scan3A_182, %mul3A_184 : i32
      %add3A_186 = arith.constant 5120 : i32
      %add3A_187 = arith.addi %add3A_186, %mul3A_185 : i32
      %get3A = arith.index_cast %add3A_187 : i32 to index
      %get3A_188 = tpu.vector_load %arg5[%get3A] {strides = array<i32>} : memref<20480xi32, #tpu.memory_space<vmem>>, vector<16xi32>,
      %gather3A = tpu.vector_load_idx %arg6[%get3A_188] : memref<100000xf32, #tpu.memory_space<vmem>>[vector<16xi32>], vector<16xf32>,
      %mul3A_189 = arith.constant 16 : i32
      %mul3A_190 = arith.muli %scan3A_182, %mul3A_189 : i32
      %swap3A = arith.index_cast %mul3A_190 : i32 to index
      %swap3A_191 = tpu.vector_load %arg8[%swap3A] {strides = array<i32>} : memref<5120xf32, #tpu.memory_space<vmem>>, vector<16xf32>,
      tpu.vector_store %arg8[%swap3A], %gather3A {strides = array<i32>} : memref<5120xf32, #tpu.memory_space<vmem>>, vector<16xf32>,
      %scan3A_192 = arith.constant 0 : i32
      %scan3A_193 = arith.constant 1 : i32
      %scan3A_194 = arith.addi %scan3A_182, %scan3A_193 : i32
      %mul3A_195 = arith.constant 16 : i32
      %mul3A_196 = arith.muli %scan3A_194, %mul3A_195 : i32
      %add3A_197 = arith.constant 5120 : i32
      %add3A_198 = arith.addi %add3A_197, %mul3A_196 : i32
      %get3A_199 = arith.index_cast %add3A_198 : i32 to index
      %get3A_200 = tpu.vector_load %arg5[%get3A_199] {strides = array<i32>} : memref<20480xi32, #tpu.memory_space<vmem>>, vector<16xi32>,
      %gather3A_201 = tpu.vector_load_idx %arg6[%get3A_200] : memref<100000xf32, #tpu.memory_space<vmem>>[vector<16xi32>], vector<16xf32>,
      %mul3A_202 = arith.constant 16 : i32
      %mul3A_203 = arith.muli %scan3A_194, %mul3A_202 : i32
      %swap3A_204 = arith.index_cast %mul3A_203 : i32 to index
      %swap3A_205 = tpu.vector_load %arg8[%swap3A_204] {strides = array<i32>} : memref<5120xf32, #tpu.memory_space<vmem>>, vector<16xf32>,
      tpu.vector_store %arg8[%swap3A_204], %gather3A_201 {strides = array<i32>} : memref<5120xf32, #tpu.memory_space<vmem>>, vector<16xf32>,
      %scan3A_206 = arith.constant 0 : i32
      %scan3A_207 = arith.constant 2 : i32
      %scan3A_208 = arith.addi %scan3A_182, %scan3A_207 : i32
      %mul3A_209 = arith.constant 16 : i32
      %mul3A_210 = arith.muli %scan3A_208, %mul3A_209 : i32
      %add3A_211 = arith.constant 5120 : i32
      %add3A_212 = arith.addi %add3A_211, %mul3A_210 : i32
      %get3A_213 = arith.index_cast %add3A_212 : i32 to index
      %get3A_214 = tpu.vector_load %arg5[%get3A_213] {strides = array<i32>} : memref<20480xi32, #tpu.memory_space<vmem>>, vector<16xi32>,
      %gather3A_215 = tpu.vector_load_idx %arg6[%get3A_214] : memref<100000xf32, #tpu.memory_space<vmem>>[vector<16xi32>], vector<16xf32>,
      %mul3A_216 = arith.constant 16 : i32
      %mul3A_217 = arith.muli %scan3A_208, %mul3A_216 : i32
      %swap3A_218 = arith.index_cast %mul3A_217 : i32 to index
      %swap3A_219 = tpu.vector_load %arg8[%swap3A_218] {strides = array<i32>} : memref<5120xf32, #tpu.memory_space<vmem>>, vector<16xf32>,
      tpu.vector_store %arg8[%swap3A_218], %gather3A_215 {strides = array<i32>} : memref<5120xf32, #tpu.memory_space<vmem>>, vector<16xf32>,
      %scan3A_220 = arith.constant 0 : i32
      %scan3A_221 = arith.constant 3 : i32
      %scan3A_222 = arith.addi %scan3A_182, %scan3A_221 : i32
      %mul3A_223 = arith.constant 16 : i32
      %mul3A_224 = arith.muli %scan3A_222, %mul3A_223 : i32
      %add3A_225 = arith.constant 5120 : i32
      %add3A_226 = arith.addi %add3A_225, %mul3A_224 : i32
      %get3A_227 = arith.index_cast %add3A_226 : i32 to index
      %get3A_228 = tpu.vector_load %arg5[%get3A_227] {strides = array<i32>} : memref<20480xi32, #tpu.memory_space<vmem>>, vector<16xi32>,
      %gather3A_229 = tpu.vector_load_idx %arg6[%get3A_228] : memref<100000xf32, #tpu.memory_space<vmem>>[vector<16xi32>], vector<16xf32>,
      %mul3A_230 = arith.constant 16 : i32
      %mul3A_231 = arith.muli %scan3A_222, %mul3A_230 : i32
      %swap3A_232 = arith.index_cast %mul3A_231 : i32 to index
      %swap3A_233 = tpu.vector_load %arg8[%swap3A_232] {strides = array<i32>} : memref<5120xf32, #tpu.memory_space<vmem>>, vector<16xf32>,
      tpu.vector_store %arg8[%swap3A_232], %gather3A_229 {strides = array<i32>} : memref<5120xf32, #tpu.memory_space<vmem>>, vector<16xf32>,
      %scan3A_234 = arith.constant 0 : i32
      %scan3A_235 = arith.constant 4 : i32
      %scan3A_236 = arith.addi %scan3A_182, %scan3A_235 : i32
      %mul3A_237 = arith.constant 16 : i32
      %mul3A_238 = arith.muli %scan3A_236, %mul3A_237 : i32
      %add3A_239 = arith.constant 5120 : i32
      %add3A_240 = arith.addi %add3A_239, %mul3A_238 : i32
      %get3A_241 = arith.index_cast %add3A_240 : i32 to index
      %get3A_242 = tpu.vector_load %arg5[%get3A_241] {strides = array<i32>} : memref<20480xi32, #tpu.memory_space<vmem>>, vector<16xi32>,
      %gather3A_243 = tpu.vector_load_idx %arg6[%get3A_242] : memref<100000xf32, #tpu.memory_space<vmem>>[vector<16xi32>], vector<16xf32>,
      %mul3A_244 = arith.constant 16 : i32
      %mul3A_245 = arith.muli %scan3A_236, %mul3A_244 : i32
      %swap3A_246 = arith.index_cast %mul3A_245 : i32 to index
      %swap3A_247 = tpu.vector_load %arg8[%swap3A_246] {strides = array<i32>} : memref<5120xf32, #tpu.memory_space<vmem>>, vector<16xf32>,
      tpu.vector_store %arg8[%swap3A_246], %gather3A_243 {strides = array<i32>} : memref<5120xf32, #tpu.memory_space<vmem>>, vector<16xf32>,
      %scan3A_248 = arith.constant 0 : i32
      %scan3A_249 = arith.constant 5 : i32
      %scan3A_250 = arith.addi %scan3A_182, %scan3A_249 : i32
      %mul3A_251 = arith.constant 16 : i32
      %mul3A_252 = arith.muli %scan3A_250, %mul3A_251 : i32
      %add3A_253 = arith.constant 5120 : i32
      %add3A_254 = arith.addi %add3A_253, %mul3A_252 : i32
      %get3A_255 = arith.index_cast %add3A_254 : i32 to index
      %get3A_256 = tpu.vector_load %arg5[%get3A_255] {strides = array<i32>} : memref<20480xi32, #tpu.memory_space<vmem>>, vector<16xi32>,
      %gather3A_257 = tpu.vector_load_idx %arg6[%get3A_256] : memref<100000xf32, #tpu.memory_space<vmem>>[vector<16xi32>], vector<16xf32>,
      %mul3A_258 = arith.constant 16 : i32
      %mul3A_259 = arith.muli %scan3A_250, %mul3A_258 : i32
      %swap3A_260 = arith.index_cast %mul3A_259 : i32 to index
      %swap3A_261 = tpu.vector_load %arg8[%swap3A_260] {strides = array<i32>} : memref<5120xf32, #tpu.memory_space<vmem>>, vector<16xf32>,
      tpu.vector_store %arg8[%swap3A_260], %gather3A_257 {strides = array<i32>} : memref<5120xf32, #tpu.memory_space<vmem>>, vector<16xf32>,
      %scan3A_262 = arith.constant 0 : i32
      %scan3A_263 = arith.constant 6 : i32
      %scan3A_264 = arith.addi %scan3A_182, %scan3A_263 : i32
      %mul3A_265 = arith.constant 16 : i32
      %mul3A_266 = arith.muli %scan3A_264, %mul3A_265 : i32
      %add3A_267 = arith.constant 5120 : i32
      %add3A_268 = arith.addi %add3A_267, %mul3A_266 : i32
      %get3A_269 = arith.index_cast %add3A_268 : i32 to index
      %get3A_270 = tpu.vector_load %arg5[%get3A_269] {strides = array<i32>} : memref<20480xi32, #tpu.memory_space<vmem>>, vector<16xi32>,
      %gather3A_271 = tpu.vector_load_idx %arg6[%get3A_270] : memref<100000xf32, #tpu.memory_space<vmem>>[vector<16xi32>], vector<16xf32>,
      %mul3A_272 = arith.constant 16 : i32
      %mul3A_273 = arith.muli %scan3A_264, %mul3A_272 : i32
      %swap3A_274 = arith.index_cast %mul3A_273 : i32 to index
      %swap3A_275 = tpu.vector_load %arg8[%swap3A_274] {strides = array<i32>} : memref<5120xf32, #tpu.memory_space<vmem>>, vector<16xf32>,
      tpu.vector_store %arg8[%swap3A_274], %gather3A_271 {strides = array<i32>} : memref<5120xf32, #tpu.memory_space<vmem>>, vector<16xf32>,
      %scan3A_276 = arith.constant 0 : i32
      %scan3A_277 = arith.constant 7 : i32
      %scan3A_278 = arith.addi %scan3A_182, %scan3A_277 : i32
      %mul3A_279 = arith.constant 16 : i32
      %mul3A_280 = arith.muli %scan3A_278, %mul3A_279 : i32
      %add3A_281 = arith.constant 5120 : i32
      %add3A_282 = arith.addi %add3A_281, %mul3A_280 : i32
      %get3A_283 = arith.index_cast %add3A_282 : i32 to index
      %get3A_284 = tpu.vector_load %arg5[%get3A_283] {strides = array<i32>} : memref<20480xi32, #tpu.memory_space<vmem>>, vector<16xi32>,
      %gather3A_285 = tpu.vector_load_idx %arg6[%get3A_284] : memref<100000xf32, #tpu.memory_space<vmem>>[vector<16xi32>], vector<16xf32>,
      %mul3A_286 = arith.constant 16 : i32
      %mul3A_287 = arith.muli %scan3A_278, %mul3A_286 : i32
      %swap3A_288 = arith.index_cast %mul3A_287 : i32 to index
      %swap3A_289 = tpu.vector_load %arg8[%swap3A_288] {strides = array<i32>} : memref<5120xf32, #tpu.memory_space<vmem>>, vector<16xf32>,
      tpu.vector_store %arg8[%swap3A_288], %gather3A_285 {strides = array<i32>} : memref<5120xf32, #tpu.memory_space<vmem>>, vector<16xf32>,
      %scan3A_290 = arith.constant 0 : i32
      scf.yield %scan3A_290 : i32
    }
    %scan3A_33 = arith.constant 320 : i32
    %dma_start3A_34 = arith.constant 5120 : i32
    %dma_start3A_35 = tpu.memref_slice %arg4[%add3A_4, %dma_start3A_34] : memref<64x20480xf32, #tpu.memory_space<hbm>> -> memref<1x5120xf32, #tpu.memory_space<hbm>>
    %dma_start3A_36 = tpu.memref_squeeze %dma_start3A_35 : memref<1x5120xf32, #tpu.memory_space<hbm>> -> memref<5120xf32, #tpu.memory_space<hbm>>
    %dma_start3A_37 = arith.constant 5120 : i32
    %dma_start3A_38 = tpu.memref_slice %arg4[%add3A_4, %dma_start3A_37] : memref<64x20480xf32, #tpu.memory_space<hbm>> -> memref<1x5120xf32, #tpu.memory_space<hbm>>
    %dma_start3A_39 = tpu.memref_squeeze %dma_start3A_38 : memref<1x5120xf32, #tpu.memory_space<hbm>> -> memref<5120xf32, #tpu.memory_space<hbm>>
    tpu.enqueue_dma source(%arg8 : memref<5120xf32, #tpu.memory_space<vmem>>) target(%dma_start3A_39 : memref<5120xf32, #tpu.memory_space<hbm>>) target_semaphore(%arg12 : memref<!tpu.dma_semaphore, #tpu.memory_space<semaphore_mem>>)
    %dma_wait3A_40 = arith.constant 0 : i32
    %dma_wait3A_41 = tpu.memref_slice %arg4[%add3A_4, %dma_wait3A_40] : memref<64x20480xf32, #tpu.memory_space<hbm>> -> memref<1x5120xf32, #tpu.memory_space<hbm>>
    %dma_wait3A_42 = tpu.memref_squeeze %dma_wait3A_41 : memref<1x5120xf32, #tpu.memory_space<hbm>> -> memref<5120xf32, #tpu.memory_space<hbm>>
    %dma_wait3A_43 = arith.constant 0 : i32
    %dma_wait3A_44 = tpu.memref_slice %arg4[%add3A_4, %dma_wait3A_43] : memref<64x20480xf32, #tpu.memory_space<hbm>> -> memref<1x5120xf32, #tpu.memory_space<hbm>>
    %dma_wait3A_45 = tpu.memref_squeeze %dma_wait3A_44 : memref<1x5120xf32, #tpu.memory_space<hbm>> -> memref<5120xf32, #tpu.memory_space<hbm>>
    tpu.wait_dma2 semaphore(%arg11 : memref<!tpu.dma_semaphore, #tpu.memory_space<semaphore_mem>>) src(%arg7 : memref<5120xf32, #tpu.memory_space<vmem>>) dst(%dma_wait3A_45 : memref<5120xf32, #tpu.memory_space<hbm>>)
    %scan3A_46 = arith.constant 0 : i32
    %scan3A_47 = arith.constant 0 : i32
    %scan3A_48 = arith.constant 320 : i32
    %scan3A_49 = arith.addi %scan3A_47, %scan3A_48 : i32
    %scan3A_50 = arith.constant 8 : i32
    %scan3A_51 = scf.for %scan3A_182 = %scan3A_47 to %scan3A_49 step %scan3A_50 iter_args(%scan3A_183 = %scan3A_46) -> (i32)  : i32 {
      %mul3A_184 = arith.constant 16 : i32
      %mul3A_185 = arith.muli %scan3A_182, %mul3A_184 : i32
      %add3A_186 = arith.constant 10240 : i32
      %add3A_187 = arith.addi %add3A_186, %mul3A_185 : i32
      %get3A = arith.index_cast %add3A_187 : i32 to index
      %get3A_188 = tpu.vector_load %arg5[%get3A] {strides = array<i32>} : memref<20480xi32, #tpu.memory_space<vmem>>, vector<16xi32>,
      %gather3A = tpu.vector_load_idx %arg6[%get3A_188] : memref<100000xf32, #tpu.memory_space<vmem>>[vector<16xi32>], vector<16xf32>,
      %mul3A_189 = arith.constant 16 : i32
      %mul3A_190 = arith.muli %scan3A_182, %mul3A_189 : i32
      %swap3A = arith.index_cast %mul3A_190 : i32 to index
      %swap3A_191 = tpu.vector_load %arg7[%swap3A] {strides = array<i32>} : memref<5120xf32, #tpu.memory_space<vmem>>, vector<16xf32>,
      tpu.vector_store %arg7[%swap3A], %gather3A {strides = array<i32>} : memref<5120xf32, #tpu.memory_space<vmem>>, vector<16xf32>,
      %scan3A_192 = arith.constant 0 : i32
      %scan3A_193 = arith.constant 1 : i32
      %scan3A_194 = arith.addi %scan3A_182, %scan3A_193 : i32
      %mul3A_195 = arith.constant 16 : i32
      %mul3A_196 = arith.muli %scan3A_194, %mul3A_195 : i32
      %add3A_197 = arith.constant 10240 : i32
      %add3A_198 = arith.addi %add3A_197, %mul3A_196 : i32
      %get3A_199 = arith.index_cast %add3A_198 : i32 to index
      %get3A_200 = tpu.vector_load %arg5[%get3A_199] {strides = array<i32>} : memref<20480xi32, #tpu.memory_space<vmem>>, vector<16xi32>,
      %gather3A_201 = tpu.vector_load_idx %arg6[%get3A_200] : memref<100000xf32, #tpu.memory_space<vmem>>[vector<16xi32>], vector<16xf32>,
      %mul3A_202 = arith.constant 16 : i32
      %mul3A_203 = arith.muli %scan3A_194, %mul3A_202 : i32
      %swap3A_204 = arith.index_cast %mul3A_203 : i32 to index
      %swap3A_205 = tpu.vector_load %arg7[%swap3A_204] {strides = array<i32>} : memref<5120xf32, #tpu.memory_space<vmem>>, vector<16xf32>,
      tpu.vector_store %arg7[%swap3A_204], %gather3A_201 {strides = array<i32>} : memref<5120xf32, #tpu.memory_space<vmem>>, vector<16xf32>,
      %scan3A_206 = arith.constant 0 : i32
      %scan3A_207 = arith.constant 2 : i32
      %scan3A_208 = arith.addi %scan3A_182, %scan3A_207 : i32
      %mul3A_209 = arith.constant 16 : i32
      %mul3A_210 = arith.muli %scan3A_208, %mul3A_209 : i32
      %add3A_211 = arith.constant 10240 : i32
      %add3A_212 = arith.addi %add3A_211, %mul3A_210 : i32
      %get3A_213 = arith.index_cast %add3A_212 : i32 to index
      %get3A_214 = tpu.vector_load %arg5[%get3A_213] {strides = array<i32>} : memref<20480xi32, #tpu.memory_space<vmem>>, vector<16xi32>,
      %gather3A_215 = tpu.vector_load_idx %arg6[%get3A_214] : memref<100000xf32, #tpu.memory_space<vmem>>[vector<16xi32>], vector<16xf32>,
      %mul3A_216 = arith.constant 16 : i32
      %mul3A_217 = arith.muli %scan3A_208, %mul3A_216 : i32
      %swap3A_218 = arith.index_cast %mul3A_217 : i32 to index
      %swap3A_219 = tpu.vector_load %arg7[%swap3A_218] {strides = array<i32>} : memref<5120xf32, #tpu.memory_space<vmem>>, vector<16xf32>,
      tpu.vector_store %arg7[%swap3A_218], %gather3A_215 {strides = array<i32>} : memref<5120xf32, #tpu.memory_space<vmem>>, vector<16xf32>,
      %scan3A_220 = arith.constant 0 : i32
      %scan3A_221 = arith.constant 3 : i32
      %scan3A_222 = arith.addi %scan3A_182, %scan3A_221 : i32
      %mul3A_223 = arith.constant 16 : i32
      %mul3A_224 = arith.muli %scan3A_222, %mul3A_223 : i32
      %add3A_225 = arith.constant 10240 : i32
      %add3A_226 = arith.addi %add3A_225, %mul3A_224 : i32
      %get3A_227 = arith.index_cast %add3A_226 : i32 to index
      %get3A_228 = tpu.vector_load %arg5[%get3A_227] {strides = array<i32>} : memref<20480xi32, #tpu.memory_space<vmem>>, vector<16xi32>,
      %gather3A_229 = tpu.vector_load_idx %arg6[%get3A_228] : memref<100000xf32, #tpu.memory_space<vmem>>[vector<16xi32>], vector<16xf32>,
      %mul3A_230 = arith.constant 16 : i32
      %mul3A_231 = arith.muli %scan3A_222, %mul3A_230 : i32
      %swap3A_232 = arith.index_cast %mul3A_231 : i32 to index
      %swap3A_233 = tpu.vector_load %arg7[%swap3A_232] {strides = array<i32>} : memref<5120xf32, #tpu.memory_space<vmem>>, vector<16xf32>,
      tpu.vector_store %arg7[%swap3A_232], %gather3A_229 {strides = array<i32>} : memref<5120xf32, #tpu.memory_space<vmem>>, vector<16xf32>,
      %scan3A_234 = arith.constant 0 : i32
      %scan3A_235 = arith.constant 4 : i32
      %scan3A_236 = arith.addi %scan3A_182, %scan3A_235 : i32
      %mul3A_237 = arith.constant 16 : i32
      %mul3A_238 = arith.muli %scan3A_236, %mul3A_237 : i32
      %add3A_239 = arith.constant 10240 : i32
      %add3A_240 = arith.addi %add3A_239, %mul3A_238 : i32
      %get3A_241 = arith.index_cast %add3A_240 : i32 to index
      %get3A_242 = tpu.vector_load %arg5[%get3A_241] {strides = array<i32>} : memref<20480xi32, #tpu.memory_space<vmem>>, vector<16xi32>,
      %gather3A_243 = tpu.vector_load_idx %arg6[%get3A_242] : memref<100000xf32, #tpu.memory_space<vmem>>[vector<16xi32>], vector<16xf32>,
      %mul3A_244 = arith.constant 16 : i32
      %mul3A_245 = arith.muli %scan3A_236, %mul3A_244 : i32
      %swap3A_246 = arith.index_cast %mul3A_245 : i32 to index
      %swap3A_247 = tpu.vector_load %arg7[%swap3A_246] {strides = array<i32>} : memref<5120xf32, #tpu.memory_space<vmem>>, vector<16xf32>,
      tpu.vector_store %arg7[%swap3A_246], %gather3A_243 {strides = array<i32>} : memref<5120xf32, #tpu.memory_space<vmem>>, vector<16xf32>,
      %scan3A_248 = arith.constant 0 : i32
      %scan3A_249 = arith.constant 5 : i32
      %scan3A_250 = arith.addi %scan3A_182, %scan3A_249 : i32
      %mul3A_251 = arith.constant 16 : i32
      %mul3A_252 = arith.muli %scan3A_250, %mul3A_251 : i32
      %add3A_253 = arith.constant 10240 : i32
      %add3A_254 = arith.addi %add3A_253, %mul3A_252 : i32
      %get3A_255 = arith.index_cast %add3A_254 : i32 to index
      %get3A_256 = tpu.vector_load %arg5[%get3A_255] {strides = array<i32>} : memref<20480xi32, #tpu.memory_space<vmem>>, vector<16xi32>,
      %gather3A_257 = tpu.vector_load_idx %arg6[%get3A_256] : memref<100000xf32, #tpu.memory_space<vmem>>[vector<16xi32>], vector<16xf32>,
      %mul3A_258 = arith.constant 16 : i32
      %mul3A_259 = arith.muli %scan3A_250, %mul3A_258 : i32
      %swap3A_260 = arith.index_cast %mul3A_259 : i32 to index
      %swap3A_261 = tpu.vector_load %arg7[%swap3A_260] {strides = array<i32>} : memref<5120xf32, #tpu.memory_space<vmem>>, vector<16xf32>,
      tpu.vector_store %arg7[%swap3A_260], %gather3A_257 {strides = array<i32>} : memref<5120xf32, #tpu.memory_space<vmem>>, vector<16xf32>,
      %scan3A_262 = arith.constant 0 : i32
      %scan3A_263 = arith.constant 6 : i32
      %scan3A_264 = arith.addi %scan3A_182, %scan3A_263 : i32
      %mul3A_265 = arith.constant 16 : i32
      %mul3A_266 = arith.muli %scan3A_264, %mul3A_265 : i32
      %add3A_267 = arith.constant 10240 : i32
      %add3A_268 = arith.addi %add3A_267, %mul3A_266 : i32
      %get3A_269 = arith.index_cast %add3A_268 : i32 to index
      %get3A_270 = tpu.vector_load %arg5[%get3A_269] {strides = array<i32>} : memref<20480xi32, #tpu.memory_space<vmem>>, vector<16xi32>,
      %gather3A_271 = tpu.vector_load_idx %arg6[%get3A_270] : memref<100000xf32, #tpu.memory_space<vmem>>[vector<16xi32>], vector<16xf32>,
      %mul3A_272 = arith.constant 16 : i32
      %mul3A_273 = arith.muli %scan3A_264, %mul3A_272 : i32
      %swap3A_274 = arith.index_cast %mul3A_273 : i32 to index
      %swap3A_275 = tpu.vector_load %arg7[%swap3A_274] {strides = array<i32>} : memref<5120xf32, #tpu.memory_space<vmem>>, vector<16xf32>,
      tpu.vector_store %arg7[%swap3A_274], %gather3A_271 {strides = array<i32>} : memref<5120xf32, #tpu.memory_space<vmem>>, vector<16xf32>,
      %scan3A_276 = arith.constant 0 : i32
      %scan3A_277 = arith.constant 7 : i32
      %scan3A_278 = arith.addi %scan3A_182, %scan3A_277 : i32
      %mul3A_279 = arith.constant 16 : i32
      %mul3A_280 = arith.muli %scan3A_278, %mul3A_279 : i32
      %add3A_281 = arith.constant 10240 : i32
      %add3A_282 = arith.addi %add3A_281, %mul3A_280 : i32
      %get3A_283 = arith.index_cast %add3A_282 : i32 to index
      %get3A_284 = tpu.vector_load %arg5[%get3A_283] {strides = array<i32>} : memref<20480xi32, #tpu.memory_space<vmem>>, vector<16xi32>,
      %gather3A_285 = tpu.vector_load_idx %arg6[%get3A_284] : memref<100000xf32, #tpu.memory_space<vmem>>[vector<16xi32>], vector<16xf32>,
      %mul3A_286 = arith.constant 16 : i32
      %mul3A_287 = arith.muli %scan3A_278, %mul3A_286 : i32
      %swap3A_288 = arith.index_cast %mul3A_287 : i32 to index
      %swap3A_289 = tpu.vector_load %arg7[%swap3A_288] {strides = array<i32>} : memref<5120xf32, #tpu.memory_space<vmem>>, vector<16xf32>,
      tpu.vector_store %arg7[%swap3A_288], %gather3A_285 {strides = array<i32>} : memref<5120xf32, #tpu.memory_space<vmem>>, vector<16xf32>,
      %scan3A_290 = arith.constant 0 : i32
      scf.yield %scan3A_290 : i32
    }
    %scan3A_52 = arith.constant 320 : i32
    %dma_start3A_53 = arith.constant 10240 : i32
    %dma_start3A_54 = tpu.memref_slice %arg4[%add3A_4, %dma_start3A_53] : memref<64x20480xf32, #tpu.memory_space<hbm>> -> memref<1x5120xf32, #tpu.memory_space<hbm>>
    %dma_start3A_55 = tpu.memref_squeeze %dma_start3A_54 : memref<1x5120xf32, #tpu.memory_space<hbm>> -> memref<5120xf32, #tpu.memory_space<hbm>>
    %dma_start3A_56 = arith.constant 10240 : i32
    %dma_start3A_57 = tpu.memref_slice %arg4[%add3A_4, %dma_start3A_56] : memref<64x20480xf32, #tpu.memory_space<hbm>> -> memref<1x5120xf32, #tpu.memory_space<hbm>>
    %dma_start3A_58 = tpu.memref_squeeze %dma_start3A_57 : memref<1x5120xf32, #tpu.memory_space<hbm>> -> memref<5120xf32, #tpu.memory_space<hbm>>
    tpu.enqueue_dma source(%arg7 : memref<5120xf32, #tpu.memory_space<vmem>>) target(%dma_start3A_58 : memref<5120xf32, #tpu.memory_space<hbm>>) target_semaphore(%arg11 : memref<!tpu.dma_semaphore, #tpu.memory_space<semaphore_mem>>)
    %dma_wait3A_59 = arith.constant 5120 : i32
    %dma_wait3A_60 = tpu.memref_slice %arg4[%add3A_4, %dma_wait3A_59] : memref<64x20480xf32, #tpu.memory_space<hbm>> -> memref<1x5120xf32, #tpu.memory_space<hbm>>
    %dma_wait3A_61 = tpu.memref_squeeze %dma_wait3A_60 : memref<1x5120xf32, #tpu.memory_space<hbm>> -> memref<5120xf32, #tpu.memory_space<hbm>>
    %dma_wait3A_62 = arith.constant 5120 : i32
    %dma_wait3A_63 = tpu.memref_slice %arg4[%add3A_4, %dma_wait3A_62] : memref<64x20480xf32, #tpu.memory_space<hbm>> -> memref<1x5120xf32, #tpu.memory_space<hbm>>
    %dma_wait3A_64 = tpu.memref_squeeze %dma_wait3A_63 : memref<1x5120xf32, #tpu.memory_space<hbm>> -> memref<5120xf32, #tpu.memory_space<hbm>>
    tpu.wait_dma2 semaphore(%arg12 : memref<!tpu.dma_semaphore, #tpu.memory_space<semaphore_mem>>) src(%arg8 : memref<5120xf32, #tpu.memory_space<vmem>>) dst(%dma_wait3A_64 : memref<5120xf32, #tpu.memory_space<hbm>>)
    %scan3A_65 = arith.constant 0 : i32
    %scan3A_66 = arith.constant 0 : i32
    %scan3A_67 = arith.constant 320 : i32
    %scan3A_68 = arith.addi %scan3A_66, %scan3A_67 : i32
    %scan3A_69 = arith.constant 8 : i32
    %scan3A_70 = scf.for %scan3A_182 = %scan3A_66 to %scan3A_68 step %scan3A_69 iter_args(%scan3A_183 = %scan3A_65) -> (i32)  : i32 {
      %mul3A_184 = arith.constant 16 : i32
      %mul3A_185 = arith.muli %scan3A_182, %mul3A_184 : i32
      %add3A_186 = arith.constant 15360 : i32
      %add3A_187 = arith.addi %add3A_186, %mul3A_185 : i32
      %get3A = arith.index_cast %add3A_187 : i32 to index
      %get3A_188 = tpu.vector_load %arg5[%get3A] {strides = array<i32>} : memref<20480xi32, #tpu.memory_space<vmem>>, vector<16xi32>,
      %gather3A = tpu.vector_load_idx %arg6[%get3A_188] : memref<100000xf32, #tpu.memory_space<vmem>>[vector<16xi32>], vector<16xf32>,
      %mul3A_189 = arith.constant 16 : i32
      %mul3A_190 = arith.muli %scan3A_182, %mul3A_189 : i32
      %swap3A = arith.index_cast %mul3A_190 : i32 to index
      %swap3A_191 = tpu.vector_load %arg8[%swap3A] {strides = array<i32>} : memref<5120xf32, #tpu.memory_space<vmem>>, vector<16xf32>,
      tpu.vector_store %arg8[%swap3A], %gather3A {strides = array<i32>} : memref<5120xf32, #tpu.memory_space<vmem>>, vector<16xf32>,
      %scan3A_192 = arith.constant 0 : i32
      %scan3A_193 = arith.constant 1 : i32
      %scan3A_194 = arith.addi %scan3A_182, %scan3A_193 : i32
      %mul3A_195 = arith.constant 16 : i32
      %mul3A_196 = arith.muli %scan3A_194, %mul3A_195 : i32
      %add3A_197 = arith.constant 15360 : i32
      %add3A_198 = arith.addi %add3A_197, %mul3A_196 : i32
      %get3A_199 = arith.index_cast %add3A_198 : i32 to index
      %get3A_200 = tpu.vector_load %arg5[%get3A_199] {strides = array<i32>} : memref<20480xi32, #tpu.memory_space<vmem>>, vector<16xi32>,
      %gather3A_201 = tpu.vector_load_idx %arg6[%get3A_200] : memref<100000xf32, #tpu.memory_space<vmem>>[vector<16xi32>], vector<16xf32>,
      %mul3A_202 = arith.constant 16 : i32
      %mul3A_203 = arith.muli %scan3A_194, %mul3A_202 : i32
      %swap3A_204 = arith.index_cast %mul3A_203 : i32 to index
      %swap3A_205 = tpu.vector_load %arg8[%swap3A_204] {strides = array<i32>} : memref<5120xf32, #tpu.memory_space<vmem>>, vector<16xf32>,
      tpu.vector_store %arg8[%swap3A_204], %gather3A_201 {strides = array<i32>} : memref<5120xf32, #tpu.memory_space<vmem>>, vector<16xf32>,
      %scan3A_206 = arith.constant 0 : i32
      %scan3A_207 = arith.constant 2 : i32
      %scan3A_208 = arith.addi %scan3A_182, %scan3A_207 : i32
      %mul3A_209 = arith.constant 16 : i32
      %mul3A_210 = arith.muli %scan3A_208, %mul3A_209 : i32
      %add3A_211 = arith.constant 15360 : i32
      %add3A_212 = arith.addi %add3A_211, %mul3A_210 : i32
      %get3A_213 = arith.index_cast %add3A_212 : i32 to index
      %get3A_214 = tpu.vector_load %arg5[%get3A_213] {strides = array<i32>} : memref<20480xi32, #tpu.memory_space<vmem>>, vector<16xi32>,
      %gather3A_215 = tpu.vector_load_idx %arg6[%get3A_214] : memref<100000xf32, #tpu.memory_space<vmem>>[vector<16xi32>], vector<16xf32>,
      %mul3A_216 = arith.constant 16 : i32
      %mul3A_217 = arith.muli %scan3A_208, %mul3A_216 : i32
      %swap3A_218 = arith.index_cast %mul3A_217 : i32 to index
      %swap3A_219 = tpu.vector_load %arg8[%swap3A_218] {strides = array<i32>} : memref<5120xf32, #tpu.memory_space<vmem>>, vector<16xf32>,
      tpu.vector_store %arg8[%swap3A_218], %gather3A_215 {strides = array<i32>} : memref<5120xf32, #tpu.memory_space<vmem>>, vector<16xf32>,
      %scan3A_220 = arith.constant 0 : i32
      %scan3A_221 = arith.constant 3 : i32
      %scan3A_222 = arith.addi %scan3A_182, %scan3A_221 : i32
      %mul3A_223 = arith.constant 16 : i32
      %mul3A_224 = arith.muli %scan3A_222, %mul3A_223 : i32
      %add3A_225 = arith.constant 15360 : i32
      %add3A_226 = arith.addi %add3A_225, %mul3A_224 : i32
      %get3A_227 = arith.index_cast %add3A_226 : i32 to index
      %get3A_228 = tpu.vector_load %arg5[%get3A_227] {strides = array<i32>} : memref<20480xi32, #tpu.memory_space<vmem>>, vector<16xi32>,
      %gather3A_229 = tpu.vector_load_idx %arg6[%get3A_228] : memref<100000xf32, #tpu.memory_space<vmem>>[vector<16xi32>], vector<16xf32>,
      %mul3A_230 = arith.constant 16 : i32
      %mul3A_231 = arith.muli %scan3A_222, %mul3A_230 : i32
      %swap3A_232 = arith.index_cast %mul3A_231 : i32 to index
      %swap3A_233 = tpu.vector_load %arg8[%swap3A_232] {strides = array<i32>} : memref<5120xf32, #tpu.memory_space<vmem>>, vector<16xf32>,
      tpu.vector_store %arg8[%swap3A_232], %gather3A_229 {strides = array<i32>} : memref<5120xf32, #tpu.memory_space<vmem>>, vector<16xf32>,
      %scan3A_234 = arith.constant 0 : i32
      %scan3A_235 = arith.constant 4 : i32
      %scan3A_236 = arith.addi %scan3A_182, %scan3A_235 : i32
      %mul3A_237 = arith.constant 16 : i32
      %mul3A_238 = arith.muli %scan3A_236, %mul3A_237 : i32
      %add3A_239 = arith.constant 15360 : i32
      %add3A_240 = arith.addi %add3A_239, %mul3A_238 : i32
      %get3A_241 = arith.index_cast %add3A_240 : i32 to index
      %get3A_242 = tpu.vector_load %arg5[%get3A_241] {strides = array<i32>} : memref<20480xi32, #tpu.memory_space<vmem>>, vector<16xi32>,
      %gather3A_243 = tpu.vector_load_idx %arg6[%get3A_242] : memref<100000xf32, #tpu.memory_space<vmem>>[vector<16xi32>], vector<16xf32>,
      %mul3A_244 = arith.constant 16 : i32
      %mul3A_245 = arith.muli %scan3A_236, %mul3A_244 : i32
      %swap3A_246 = arith.index_cast %mul3A_245 : i32 to index
      %swap3A_247 = tpu.vector_load %arg8[%swap3A_246] {strides = array<i32>} : memref<5120xf32, #tpu.memory_space<vmem>>, vector<16xf32>,
      tpu.vector_store %arg8[%swap3A_246], %gather3A_243 {strides = array<i32>} : memref<5120xf32, #tpu.memory_space<vmem>>, vector<16xf32>,
      %scan3A_248 = arith.constant 0 : i32
      %scan3A_249 = arith.constant 5 : i32
      %scan3A_250 = arith.addi %scan3A_182, %scan3A_249 : i32
      %mul3A_251 = arith.constant 16 : i32
      %mul3A_252 = arith.muli %scan3A_250, %mul3A_251 : i32
      %add3A_253 = arith.constant 15360 : i32
      %add3A_254 = arith.addi %add3A_253, %mul3A_252 : i32
      %get3A_255 = arith.index_cast %add3A_254 : i32 to index
      %get3A_256 = tpu.vector_load %arg5[%get3A_255] {strides = array<i32>} : memref<20480xi32, #tpu.memory_space<vmem>>, vector<16xi32>,
      %gather3A_257 = tpu.vector_load_idx %arg6[%get3A_256] : memref<100000xf32, #tpu.memory_space<vmem>>[vector<16xi32>], vector<16xf32>,
      %mul3A_258 = arith.constant 16 : i32
      %mul3A_259 = arith.muli %scan3A_250, %mul3A_258 : i32
      %swap3A_260 = arith.index_cast %mul3A_259 : i32 to index
      %swap3A_261 = tpu.vector_load %arg8[%swap3A_260] {strides = array<i32>} : memref<5120xf32, #tpu.memory_space<vmem>>, vector<16xf32>,
      tpu.vector_store %arg8[%swap3A_260], %gather3A_257 {strides = array<i32>} : memref<5120xf32, #tpu.memory_space<vmem>>, vector<16xf32>,
      %scan3A_262 = arith.constant 0 : i32
      %scan3A_263 = arith.constant 6 : i32
      %scan3A_264 = arith.addi %scan3A_182, %scan3A_263 : i32
      %mul3A_265 = arith.constant 16 : i32
      %mul3A_266 = arith.muli %scan3A_264, %mul3A_265 : i32
      %add3A_267 = arith.constant 15360 : i32
      %add3A_268 = arith.addi %add3A_267, %mul3A_266 : i32
      %get3A_269 = arith.index_cast %add3A_268 : i32 to index
      %get3A_270 = tpu.vector_load %arg5[%get3A_269] {strides = array<i32>} : memref<20480xi32, #tpu.memory_space<vmem>>, vector<16xi32>,
      %gather3A_271 = tpu.vector_load_idx %arg6[%get3A_270] : memref<100000xf32, #tpu.memory_space<vmem>>[vector<16xi32>], vector<16xf32>,
      %mul3A_272 = arith.constant 16 : i32
      %mul3A_273 = arith.muli %scan3A_264, %mul3A_272 : i32
      %swap3A_274 = arith.index_cast %mul3A_273 : i32 to index
      %swap3A_275 = tpu.vector_load %arg8[%swap3A_274] {strides = array<i32>} : memref<5120xf32, #tpu.memory_space<vmem>>, vector<16xf32>,
      tpu.vector_store %arg8[%swap3A_274], %gather3A_271 {strides = array<i32>} : memref<5120xf32, #tpu.memory_space<vmem>>, vector<16xf32>,
      %scan3A_276 = arith.constant 0 : i32
      %scan3A_277 = arith.constant 7 : i32
      %scan3A_278 = arith.addi %scan3A_182, %scan3A_277 : i32
      %mul3A_279 = arith.constant 16 : i32
      %mul3A_280 = arith.muli %scan3A_278, %mul3A_279 : i32
      %add3A_281 = arith.constant 15360 : i32
      %add3A_282 = arith.addi %add3A_281, %mul3A_280 : i32
      %get3A_283 = arith.index_cast %add3A_282 : i32 to index
      %get3A_284 = tpu.vector_load %arg5[%get3A_283] {strides = array<i32>} : memref<20480xi32, #tpu.memory_space<vmem>>, vector<16xi32>,
      %gather3A_285 = tpu.vector_load_idx %arg6[%get3A_284] : memref<100000xf32, #tpu.memory_space<vmem>>[vector<16xi32>], vector<16xf32>,
      %mul3A_286 = arith.constant 16 : i32
      %mul3A_287 = arith.muli %scan3A_278, %mul3A_286 : i32
      %swap3A_288 = arith.index_cast %mul3A_287 : i32 to index
      %swap3A_289 = tpu.vector_load %arg8[%swap3A_288] {strides = array<i32>} : memref<5120xf32, #tpu.memory_space<vmem>>, vector<16xf32>,
      tpu.vector_store %arg8[%swap3A_288], %gather3A_285 {strides = array<i32>} : memref<5120xf32, #tpu.memory_space<vmem>>, vector<16xf32>,
      %scan3A_290 = arith.constant 0 : i32
      scf.yield %scan3A_290 : i32
    }
    %scan3A_71 = arith.constant 320 : i32
    %dma_start3A_72 = arith.constant 15360 : i32
    %dma_start3A_73 = tpu.memref_slice %arg4[%add3A_4, %dma_start3A_72] : memref<64x20480xf32, #tpu.memory_space<hbm>> -> memref<1x5120xf32, #tpu.memory_space<hbm>>
    %dma_start3A_74 = tpu.memref_squeeze %dma_start3A_73 : memref<1x5120xf32, #tpu.memory_space<hbm>> -> memref<5120xf32, #tpu.memory_space<hbm>>
    %dma_start3A_75 = arith.constant 15360 : i32
    %dma_start3A_76 = tpu.memref_slice %arg4[%add3A_4, %dma_start3A_75] : memref<64x20480xf32, #tpu.memory_space<hbm>> -> memref<1x5120xf32, #tpu.memory_space<hbm>>
    %dma_start3A_77 = tpu.memref_squeeze %dma_start3A_76 : memref<1x5120xf32, #tpu.memory_space<hbm>> -> memref<5120xf32, #tpu.memory_space<hbm>>
    tpu.enqueue_dma source(%arg8 : memref<5120xf32, #tpu.memory_space<vmem>>) target(%dma_start3A_77 : memref<5120xf32, #tpu.memory_space<hbm>>) target_semaphore(%arg12 : memref<!tpu.dma_semaphore, #tpu.memory_space<semaphore_mem>>)
    %mul3A_78 = arith.constant 2 : i32
    %mul3A_79 = arith.muli %add3A, %mul3A_78 : i32
    %add3A_80 = arith.constant 1 : i32
    %add3A_81 = arith.addi %mul3A_79, %add3A_80 : i32
    %dma_start3A_82 = arith.constant 0 : i32
    %dma_start3A_83 = tpu.memref_slice %arg2[%add3A_81, %dma_start3A_82] : memref<64x100000xf32, #tpu.memory_space<hbm>> -> memref<1x100000xf32, #tpu.memory_space<hbm>>
    %dma_start3A_84 = tpu.memref_squeeze %dma_start3A_83 : memref<1x100000xf32, #tpu.memory_space<hbm>> -> memref<100000xf32, #tpu.memory_space<hbm>>
    %dma_start3A_85 = arith.constant 0 : i32
    %dma_start3A_86 = tpu.memref_slice %arg2[%add3A_81, %dma_start3A_85] : memref<64x100000xf32, #tpu.memory_space<hbm>> -> memref<1x100000xf32, #tpu.memory_space<hbm>>
    %dma_start3A_87 = tpu.memref_squeeze %dma_start3A_86 : memref<1x100000xf32, #tpu.memory_space<hbm>> -> memref<100000xf32, #tpu.memory_space<hbm>>
    tpu.enqueue_dma source(%dma_start3A_87 : memref<100000xf32, #tpu.memory_space<hbm>>) target(%arg6 : memref<100000xf32, #tpu.memory_space<vmem>>) target_semaphore(%arg10 : memref<!tpu.dma_semaphore, #tpu.memory_space<semaphore_mem>>)
    %dma_wait3A_88 = arith.constant 0 : i32
    %dma_wait3A_89 = tpu.memref_slice %arg2[%add3A_81, %dma_wait3A_88] : memref<64x100000xf32, #tpu.memory_space<hbm>> -> memref<1x100000xf32, #tpu.memory_space<hbm>>
    %dma_wait3A_90 = tpu.memref_squeeze %dma_wait3A_89 : memref<1x100000xf32, #tpu.memory_space<hbm>> -> memref<100000xf32, #tpu.memory_space<hbm>>
    %dma_wait3A_91 = arith.constant 0 : i32
    %dma_wait3A_92 = tpu.memref_slice %arg2[%add3A_81, %dma_wait3A_91] : memref<64x100000xf32, #tpu.memory_space<hbm>> -> memref<1x100000xf32, #tpu.memory_space<hbm>>
    %dma_wait3A_93 = tpu.memref_squeeze %dma_wait3A_92 : memref<1x100000xf32, #tpu.memory_space<hbm>> -> memref<100000xf32, #tpu.memory_space<hbm>>
    tpu.wait_dma2 semaphore(%arg10 : memref<!tpu.dma_semaphore, #tpu.memory_space<semaphore_mem>>) src(%dma_wait3A_93 : memref<100000xf32, #tpu.memory_space<hbm>>) dst(%arg6 : memref<100000xf32, #tpu.memory_space<vmem>>)
    %dma_wait3A_94 = arith.constant 10240 : i32
    %dma_wait3A_95 = tpu.memref_slice %arg4[%add3A_4, %dma_wait3A_94] : memref<64x20480xf32, #tpu.memory_space<hbm>> -> memref<1x5120xf32, #tpu.memory_space<hbm>>
    %dma_wait3A_96 = tpu.memref_squeeze %dma_wait3A_95 : memref<1x5120xf32, #tpu.memory_space<hbm>> -> memref<5120xf32, #tpu.memory_space<hbm>>
    %dma_wait3A_97 = arith.constant 10240 : i32
    %dma_wait3A_98 = tpu.memref_slice %arg4[%add3A_4, %dma_wait3A_97] : memref<64x20480xf32, #tpu.memory_space<hbm>> -> memref<1x5120xf32, #tpu.memory_space<hbm>>
    %dma_wait3A_99 = tpu.memref_squeeze %dma_wait3A_98 : memref<1x5120xf32, #tpu.memory_space<hbm>> -> memref<5120xf32, #tpu.memory_space<hbm>>
    tpu.wait_dma2 semaphore(%arg11 : memref<!tpu.dma_semaphore, #tpu.memory_space<semaphore_mem>>) src(%arg7 : memref<5120xf32, #tpu.memory_space<vmem>>) dst(%dma_wait3A_99 : memref<5120xf32, #tpu.memory_space<hbm>>)
    %scan3A_100 = arith.constant 0 : i32
    %scan3A_101 = arith.constant 0 : i32
    %scan3A_102 = arith.constant 320 : i32
    %scan3A_103 = arith.addi %scan3A_101, %scan3A_102 : i32
    %scan3A_104 = arith.constant 8 : i32
    %scan3A_105 = scf.for %scan3A_182 = %scan3A_101 to %scan3A_103 step %scan3A_104 iter_args(%scan3A_183 = %scan3A_100) -> (i32)  : i32 {
      %mul3A_184 = arith.constant 16 : i32
      %mul3A_185 = arith.muli %scan3A_182, %mul3A_184 : i32
      %add3A_186 = arith.constant 0 : i32
      %add3A_187 = arith.addi %add3A_186, %mul3A_185 : i32
      %get3A = arith.index_cast %add3A_187 : i32 to index
      %get3A_188 = tpu.vector_load %arg5[%get3A] {strides = array<i32>} : memref<20480xi32, #tpu.memory_space<vmem>>, vector<16xi32>,
      %gather3A = tpu.vector_load_idx %arg6[%get3A_188] : memref<100000xf32, #tpu.memory_space<vmem>>[vector<16xi32>], vector<16xf32>,
      %mul3A_189 = arith.constant 16 : i32
      %mul3A_190 = arith.muli %scan3A_182, %mul3A_189 : i32
      %swap3A = arith.index_cast %mul3A_190 : i32 to index
      %swap3A_191 = tpu.vector_load %arg7[%swap3A] {strides = array<i32>} : memref<5120xf32, #tpu.memory_space<vmem>>, vector<16xf32>,
      tpu.vector_store %arg7[%swap3A], %gather3A {strides = array<i32>} : memref<5120xf32, #tpu.memory_space<vmem>>, vector<16xf32>,
      %scan3A_192 = arith.constant 0 : i32
      %scan3A_193 = arith.constant 1 : i32
      %scan3A_194 = arith.addi %scan3A_182, %scan3A_193 : i32
      %mul3A_195 = arith.constant 16 : i32
      %mul3A_196 = arith.muli %scan3A_194, %mul3A_195 : i32
      %add3A_197 = arith.constant 0 : i32
      %add3A_198 = arith.addi %add3A_197, %mul3A_196 : i32
      %get3A_199 = arith.index_cast %add3A_198 : i32 to index
      %get3A_200 = tpu.vector_load %arg5[%get3A_199] {strides = array<i32>} : memref<20480xi32, #tpu.memory_space<vmem>>, vector<16xi32>,
      %gather3A_201 = tpu.vector_load_idx %arg6[%get3A_200] : memref<100000xf32, #tpu.memory_space<vmem>>[vector<16xi32>], vector<16xf32>,
      %mul3A_202 = arith.constant 16 : i32
      %mul3A_203 = arith.muli %scan3A_194, %mul3A_202 : i32
      %swap3A_204 = arith.index_cast %mul3A_203 : i32 to index
      %swap3A_205 = tpu.vector_load %arg7[%swap3A_204] {strides = array<i32>} : memref<5120xf32, #tpu.memory_space<vmem>>, vector<16xf32>,
      tpu.vector_store %arg7[%swap3A_204], %gather3A_201 {strides = array<i32>} : memref<5120xf32, #tpu.memory_space<vmem>>, vector<16xf32>,
      %scan3A_206 = arith.constant 0 : i32
      %scan3A_207 = arith.constant 2 : i32
      %scan3A_208 = arith.addi %scan3A_182, %scan3A_207 : i32
      %mul3A_209 = arith.constant 16 : i32
      %mul3A_210 = arith.muli %scan3A_208, %mul3A_209 : i32
      %add3A_211 = arith.constant 0 : i32
      %add3A_212 = arith.addi %add3A_211, %mul3A_210 : i32
      %get3A_213 = arith.index_cast %add3A_212 : i32 to index
      %get3A_214 = tpu.vector_load %arg5[%get3A_213] {strides = array<i32>} : memref<20480xi32, #tpu.memory_space<vmem>>, vector<16xi32>,
      %gather3A_215 = tpu.vector_load_idx %arg6[%get3A_214] : memref<100000xf32, #tpu.memory_space<vmem>>[vector<16xi32>], vector<16xf32>,
      %mul3A_216 = arith.constant 16 : i32
      %mul3A_217 = arith.muli %scan3A_208, %mul3A_216 : i32
      %swap3A_218 = arith.index_cast %mul3A_217 : i32 to index
      %swap3A_219 = tpu.vector_load %arg7[%swap3A_218] {strides = array<i32>} : memref<5120xf32, #tpu.memory_space<vmem>>, vector<16xf32>,
      tpu.vector_store %arg7[%swap3A_218], %gather3A_215 {strides = array<i32>} : memref<5120xf32, #tpu.memory_space<vmem>>, vector<16xf32>,
      %scan3A_220 = arith.constant 0 : i32
      %scan3A_221 = arith.constant 3 : i32
      %scan3A_222 = arith.addi %scan3A_182, %scan3A_221 : i32
      %mul3A_223 = arith.constant 16 : i32
      %mul3A_224 = arith.muli %scan3A_222, %mul3A_223 : i32
      %add3A_225 = arith.constant 0 : i32
      %add3A_226 = arith.addi %add3A_225, %mul3A_224 : i32
      %get3A_227 = arith.index_cast %add3A_226 : i32 to index
      %get3A_228 = tpu.vector_load %arg5[%get3A_227] {strides = array<i32>} : memref<20480xi32, #tpu.memory_space<vmem>>, vector<16xi32>,
      %gather3A_229 = tpu.vector_load_idx %arg6[%get3A_228] : memref<100000xf32, #tpu.memory_space<vmem>>[vector<16xi32>], vector<16xf32>,
      %mul3A_230 = arith.constant 16 : i32
      %mul3A_231 = arith.muli %scan3A_222, %mul3A_230 : i32
      %swap3A_232 = arith.index_cast %mul3A_231 : i32 to index
      %swap3A_233 = tpu.vector_load %arg7[%swap3A_232] {strides = array<i32>} : memref<5120xf32, #tpu.memory_space<vmem>>, vector<16xf32>,
      tpu.vector_store %arg7[%swap3A_232], %gather3A_229 {strides = array<i32>} : memref<5120xf32, #tpu.memory_space<vmem>>, vector<16xf32>,
      %scan3A_234 = arith.constant 0 : i32
      %scan3A_235 = arith.constant 4 : i32
      %scan3A_236 = arith.addi %scan3A_182, %scan3A_235 : i32
      %mul3A_237 = arith.constant 16 : i32
      %mul3A_238 = arith.muli %scan3A_236, %mul3A_237 : i32
      %add3A_239 = arith.constant 0 : i32
      %add3A_240 = arith.addi %add3A_239, %mul3A_238 : i32
      %get3A_241 = arith.index_cast %add3A_240 : i32 to index
      %get3A_242 = tpu.vector_load %arg5[%get3A_241] {strides = array<i32>} : memref<20480xi32, #tpu.memory_space<vmem>>, vector<16xi32>,
      %gather3A_243 = tpu.vector_load_idx %arg6[%get3A_242] : memref<100000xf32, #tpu.memory_space<vmem>>[vector<16xi32>], vector<16xf32>,
      %mul3A_244 = arith.constant 16 : i32
      %mul3A_245 = arith.muli %scan3A_236, %mul3A_244 : i32
      %swap3A_246 = arith.index_cast %mul3A_245 : i32 to index
      %swap3A_247 = tpu.vector_load %arg7[%swap3A_246] {strides = array<i32>} : memref<5120xf32, #tpu.memory_space<vmem>>, vector<16xf32>,
      tpu.vector_store %arg7[%swap3A_246], %gather3A_243 {strides = array<i32>} : memref<5120xf32, #tpu.memory_space<vmem>>, vector<16xf32>,
      %scan3A_248 = arith.constant 0 : i32
      %scan3A_249 = arith.constant 5 : i32
      %scan3A_250 = arith.addi %scan3A_182, %scan3A_249 : i32
      %mul3A_251 = arith.constant 16 : i32
      %mul3A_252 = arith.muli %scan3A_250, %mul3A_251 : i32
      %add3A_253 = arith.constant 0 : i32
      %add3A_254 = arith.addi %add3A_253, %mul3A_252 : i32
      %get3A_255 = arith.index_cast %add3A_254 : i32 to index
      %get3A_256 = tpu.vector_load %arg5[%get3A_255] {strides = array<i32>} : memref<20480xi32, #tpu.memory_space<vmem>>, vector<16xi32>,
      %gather3A_257 = tpu.vector_load_idx %arg6[%get3A_256] : memref<100000xf32, #tpu.memory_space<vmem>>[vector<16xi32>], vector<16xf32>,
      %mul3A_258 = arith.constant 16 : i32
      %mul3A_259 = arith.muli %scan3A_250, %mul3A_258 : i32
      %swap3A_260 = arith.index_cast %mul3A_259 : i32 to index
      %swap3A_261 = tpu.vector_load %arg7[%swap3A_260] {strides = array<i32>} : memref<5120xf32, #tpu.memory_space<vmem>>, vector<16xf32>,
      tpu.vector_store %arg7[%swap3A_260], %gather3A_257 {strides = array<i32>} : memref<5120xf32, #tpu.memory_space<vmem>>, vector<16xf32>,
      %scan3A_262 = arith.constant 0 : i32
      %scan3A_263 = arith.constant 6 : i32
      %scan3A_264 = arith.addi %scan3A_182, %scan3A_263 : i32
      %mul3A_265 = arith.constant 16 : i32
      %mul3A_266 = arith.muli %scan3A_264, %mul3A_265 : i32
      %add3A_267 = arith.constant 0 : i32
      %add3A_268 = arith.addi %add3A_267, %mul3A_266 : i32
      %get3A_269 = arith.index_cast %add3A_268 : i32 to index
      %get3A_270 = tpu.vector_load %arg5[%get3A_269] {strides = array<i32>} : memref<20480xi32, #tpu.memory_space<vmem>>, vector<16xi32>,
      %gather3A_271 = tpu.vector_load_idx %arg6[%get3A_270] : memref<100000xf32, #tpu.memory_space<vmem>>[vector<16xi32>], vector<16xf32>,
      %mul3A_272 = arith.constant 16 : i32
      %mul3A_273 = arith.muli %scan3A_264, %mul3A_272 : i32
      %swap3A_274 = arith.index_cast %mul3A_273 : i32 to index
      %swap3A_275 = tpu.vector_load %arg7[%swap3A_274] {strides = array<i32>} : memref<5120xf32, #tpu.memory_space<vmem>>, vector<16xf32>,
      tpu.vector_store %arg7[%swap3A_274], %gather3A_271 {strides = array<i32>} : memref<5120xf32, #tpu.memory_space<vmem>>, vector<16xf32>,
      %scan3A_276 = arith.constant 0 : i32
      %scan3A_277 = arith.constant 7 : i32
      %scan3A_278 = arith.addi %scan3A_182, %scan3A_277 : i32
      %mul3A_279 = arith.constant 16 : i32
      %mul3A_280 = arith.muli %scan3A_278, %mul3A_279 : i32
      %add3A_281 = arith.constant 0 : i32
      %add3A_282 = arith.addi %add3A_281, %mul3A_280 : i32
      %get3A_283 = arith.index_cast %add3A_282 : i32 to index
      %get3A_284 = tpu.vector_load %arg5[%get3A_283] {strides = array<i32>} : memref<20480xi32, #tpu.memory_space<vmem>>, vector<16xi32>,
      %gather3A_285 = tpu.vector_load_idx %arg6[%get3A_284] : memref<100000xf32, #tpu.memory_space<vmem>>[vector<16xi32>], vector<16xf32>,
      %mul3A_286 = arith.constant 16 : i32
      %mul3A_287 = arith.muli %scan3A_278, %mul3A_286 : i32
      %swap3A_288 = arith.index_cast %mul3A_287 : i32 to index
      %swap3A_289 = tpu.vector_load %arg7[%swap3A_288] {strides = array<i32>} : memref<5120xf32, #tpu.memory_space<vmem>>, vector<16xf32>,
      tpu.vector_store %arg7[%swap3A_288], %gather3A_285 {strides = array<i32>} : memref<5120xf32, #tpu.memory_space<vmem>>, vector<16xf32>,
      %scan3A_290 = arith.constant 0 : i32
      scf.yield %scan3A_290 : i32
    }
    %scan3A_106 = arith.constant 320 : i32
    %dma_start3A_107 = arith.constant 0 : i32
    %dma_start3A_108 = tpu.memref_slice %arg4[%add3A_81, %dma_start3A_107] : memref<64x20480xf32, #tpu.memory_space<hbm>> -> memref<1x5120xf32, #tpu.memory_space<hbm>>
    %dma_start3A_109 = tpu.memref_squeeze %dma_start3A_108 : memref<1x5120xf32, #tpu.memory_space<hbm>> -> memref<5120xf32, #tpu.memory_space<hbm>>
    %dma_start3A_110 = arith.constant 0 : i32
    %dma_start3A_111 = tpu.memref_slice %arg4[%add3A_81, %dma_start3A_110] : memref<64x20480xf32, #tpu.memory_space<hbm>> -> memref<1x5120xf32, #tpu.memory_space<hbm>>
    %dma_start3A_112 = tpu.memref_squeeze %dma_start3A_111 : memref<1x5120xf32, #tpu.memory_space<hbm>> -> memref<5120xf32, #tpu.memory_space<hbm>>
    tpu.enqueue_dma source(%arg7 : memref<5120xf32, #tpu.memory_space<vmem>>) target(%dma_start3A_112 : memref<5120xf32, #tpu.memory_space<hbm>>) target_semaphore(%arg11 : memref<!tpu.dma_semaphore, #tpu.memory_space<semaphore_mem>>)
    %dma_wait3A_113 = arith.constant 15360 : i32
    %dma_wait3A_114 = tpu.memref_slice %arg4[%add3A_4, %dma_wait3A_113] : memref<64x20480xf32, #tpu.memory_space<hbm>> -> memref<1x5120xf32, #tpu.memory_space<hbm>>
    %dma_wait3A_115 = tpu.memref_squeeze %dma_wait3A_114 : memref<1x5120xf32, #tpu.memory_space<hbm>> -> memref<5120xf32, #tpu.memory_space<hbm>>
    %dma_wait3A_116 = arith.constant 15360 : i32
    %dma_wait3A_117 = tpu.memref_slice %arg4[%add3A_4, %dma_wait3A_116] : memref<64x20480xf32, #tpu.memory_space<hbm>> -> memref<1x5120xf32, #tpu.memory_space<hbm>>
    %dma_wait3A_118 = tpu.memref_squeeze %dma_wait3A_117 : memref<1x5120xf32, #tpu.memory_space<hbm>> -> memref<5120xf32, #tpu.memory_space<hbm>>
    tpu.wait_dma2 semaphore(%arg12 : memref<!tpu.dma_semaphore, #tpu.memory_space<semaphore_mem>>) src(%arg8 : memref<5120xf32, #tpu.memory_space<vmem>>) dst(%dma_wait3A_118 : memref<5120xf32, #tpu.memory_space<hbm>>)
    %scan3A_119 = arith.constant 0 : i32
    %scan3A_120 = arith.constant 0 : i32
    %scan3A_121 = arith.constant 320 : i32
    %scan3A_122 = arith.addi %scan3A_120, %scan3A_121 : i32
    %scan3A_123 = arith.constant 8 : i32
    %scan3A_124 = scf.for %scan3A_182 = %scan3A_120 to %scan3A_122 step %scan3A_123 iter_args(%scan3A_183 = %scan3A_119) -> (i32)  : i32 {
      %mul3A_184 = arith.constant 16 : i32
      %mul3A_185 = arith.muli %scan3A_182, %mul3A_184 : i32
      %add3A_186 = arith.constant 5120 : i32
      %add3A_187 = arith.addi %add3A_186, %mul3A_185 : i32
      %get3A = arith.index_cast %add3A_187 : i32 to index
      %get3A_188 = tpu.vector_load %arg5[%get3A] {strides = array<i32>} : memref<20480xi32, #tpu.memory_space<vmem>>, vector<16xi32>,
      %gather3A = tpu.vector_load_idx %arg6[%get3A_188] : memref<100000xf32, #tpu.memory_space<vmem>>[vector<16xi32>], vector<16xf32>,
      %mul3A_189 = arith.constant 16 : i32
      %mul3A_190 = arith.muli %scan3A_182, %mul3A_189 : i32
      %swap3A = arith.index_cast %mul3A_190 : i32 to index
      %swap3A_191 = tpu.vector_load %arg8[%swap3A] {strides = array<i32>} : memref<5120xf32, #tpu.memory_space<vmem>>, vector<16xf32>,
      tpu.vector_store %arg8[%swap3A], %gather3A {strides = array<i32>} : memref<5120xf32, #tpu.memory_space<vmem>>, vector<16xf32>,
      %scan3A_192 = arith.constant 0 : i32
      %scan3A_193 = arith.constant 1 : i32
      %scan3A_194 = arith.addi %scan3A_182, %scan3A_193 : i32
      %mul3A_195 = arith.constant 16 : i32
      %mul3A_196 = arith.muli %scan3A_194, %mul3A_195 : i32
      %add3A_197 = arith.constant 5120 : i32
      %add3A_198 = arith.addi %add3A_197, %mul3A_196 : i32
      %get3A_199 = arith.index_cast %add3A_198 : i32 to index
      %get3A_200 = tpu.vector_load %arg5[%get3A_199] {strides = array<i32>} : memref<20480xi32, #tpu.memory_space<vmem>>, vector<16xi32>,
      %gather3A_201 = tpu.vector_load_idx %arg6[%get3A_200] : memref<100000xf32, #tpu.memory_space<vmem>>[vector<16xi32>], vector<16xf32>,
      %mul3A_202 = arith.constant 16 : i32
      %mul3A_203 = arith.muli %scan3A_194, %mul3A_202 : i32
      %swap3A_204 = arith.index_cast %mul3A_203 : i32 to index
      %swap3A_205 = tpu.vector_load %arg8[%swap3A_204] {strides = array<i32>} : memref<5120xf32, #tpu.memory_space<vmem>>, vector<16xf32>,
      tpu.vector_store %arg8[%swap3A_204], %gather3A_201 {strides = array<i32>} : memref<5120xf32, #tpu.memory_space<vmem>>, vector<16xf32>,
      %scan3A_206 = arith.constant 0 : i32
      %scan3A_207 = arith.constant 2 : i32
      %scan3A_208 = arith.addi %scan3A_182, %scan3A_207 : i32
      %mul3A_209 = arith.constant 16 : i32
      %mul3A_210 = arith.muli %scan3A_208, %mul3A_209 : i32
      %add3A_211 = arith.constant 5120 : i32
      %add3A_212 = arith.addi %add3A_211, %mul3A_210 : i32
      %get3A_213 = arith.index_cast %add3A_212 : i32 to index
      %get3A_214 = tpu.vector_load %arg5[%get3A_213] {strides = array<i32>} : memref<20480xi32, #tpu.memory_space<vmem>>, vector<16xi32>,
      %gather3A_215 = tpu.vector_load_idx %arg6[%get3A_214] : memref<100000xf32, #tpu.memory_space<vmem>>[vector<16xi32>], vector<16xf32>,
      %mul3A_216 = arith.constant 16 : i32
      %mul3A_217 = arith.muli %scan3A_208, %mul3A_216 : i32
      %swap3A_218 = arith.index_cast %mul3A_217 : i32 to index
      %swap3A_219 = tpu.vector_load %arg8[%swap3A_218] {strides = array<i32>} : memref<5120xf32, #tpu.memory_space<vmem>>, vector<16xf32>,
      tpu.vector_store %arg8[%swap3A_218], %gather3A_215 {strides = array<i32>} : memref<5120xf32, #tpu.memory_space<vmem>>, vector<16xf32>,
      %scan3A_220 = arith.constant 0 : i32
      %scan3A_221 = arith.constant 3 : i32
      %scan3A_222 = arith.addi %scan3A_182, %scan3A_221 : i32
      %mul3A_223 = arith.constant 16 : i32
      %mul3A_224 = arith.muli %scan3A_222, %mul3A_223 : i32
      %add3A_225 = arith.constant 5120 : i32
      %add3A_226 = arith.addi %add3A_225, %mul3A_224 : i32
      %get3A_227 = arith.index_cast %add3A_226 : i32 to index
      %get3A_228 = tpu.vector_load %arg5[%get3A_227] {strides = array<i32>} : memref<20480xi32, #tpu.memory_space<vmem>>, vector<16xi32>,
      %gather3A_229 = tpu.vector_load_idx %arg6[%get3A_228] : memref<100000xf32, #tpu.memory_space<vmem>>[vector<16xi32>], vector<16xf32>,
      %mul3A_230 = arith.constant 16 : i32
      %mul3A_231 = arith.muli %scan3A_222, %mul3A_230 : i32
      %swap3A_232 = arith.index_cast %mul3A_231 : i32 to index
      %swap3A_233 = tpu.vector_load %arg8[%swap3A_232] {strides = array<i32>} : memref<5120xf32, #tpu.memory_space<vmem>>, vector<16xf32>,
      tpu.vector_store %arg8[%swap3A_232], %gather3A_229 {strides = array<i32>} : memref<5120xf32, #tpu.memory_space<vmem>>, vector<16xf32>,
      %scan3A_234 = arith.constant 0 : i32
      %scan3A_235 = arith.constant 4 : i32
      %scan3A_236 = arith.addi %scan3A_182, %scan3A_235 : i32
      %mul3A_237 = arith.constant 16 : i32
      %mul3A_238 = arith.muli %scan3A_236, %mul3A_237 : i32
      %add3A_239 = arith.constant 5120 : i32
      %add3A_240 = arith.addi %add3A_239, %mul3A_238 : i32
      %get3A_241 = arith.index_cast %add3A_240 : i32 to index
      %get3A_242 = tpu.vector_load %arg5[%get3A_241] {strides = array<i32>} : memref<20480xi32, #tpu.memory_space<vmem>>, vector<16xi32>,
      %gather3A_243 = tpu.vector_load_idx %arg6[%get3A_242] : memref<100000xf32, #tpu.memory_space<vmem>>[vector<16xi32>], vector<16xf32>,
      %mul3A_244 = arith.constant 16 : i32
      %mul3A_245 = arith.muli %scan3A_236, %mul3A_244 : i32
      %swap3A_246 = arith.index_cast %mul3A_245 : i32 to index
      %swap3A_247 = tpu.vector_load %arg8[%swap3A_246] {strides = array<i32>} : memref<5120xf32, #tpu.memory_space<vmem>>, vector<16xf32>,
      tpu.vector_store %arg8[%swap3A_246], %gather3A_243 {strides = array<i32>} : memref<5120xf32, #tpu.memory_space<vmem>>, vector<16xf32>,
      %scan3A_248 = arith.constant 0 : i32
      %scan3A_249 = arith.constant 5 : i32
      %scan3A_250 = arith.addi %scan3A_182, %scan3A_249 : i32
      %mul3A_251 = arith.constant 16 : i32
      %mul3A_252 = arith.muli %scan3A_250, %mul3A_251 : i32
      %add3A_253 = arith.constant 5120 : i32
      %add3A_254 = arith.addi %add3A_253, %mul3A_252 : i32
      %get3A_255 = arith.index_cast %add3A_254 : i32 to index
      %get3A_256 = tpu.vector_load %arg5[%get3A_255] {strides = array<i32>} : memref<20480xi32, #tpu.memory_space<vmem>>, vector<16xi32>,
      %gather3A_257 = tpu.vector_load_idx %arg6[%get3A_256] : memref<100000xf32, #tpu.memory_space<vmem>>[vector<16xi32>], vector<16xf32>,
      %mul3A_258 = arith.constant 16 : i32
      %mul3A_259 = arith.muli %scan3A_250, %mul3A_258 : i32
      %swap3A_260 = arith.index_cast %mul3A_259 : i32 to index
      %swap3A_261 = tpu.vector_load %arg8[%swap3A_260] {strides = array<i32>} : memref<5120xf32, #tpu.memory_space<vmem>>, vector<16xf32>,
      tpu.vector_store %arg8[%swap3A_260], %gather3A_257 {strides = array<i32>} : memref<5120xf32, #tpu.memory_space<vmem>>, vector<16xf32>,
      %scan3A_262 = arith.constant 0 : i32
      %scan3A_263 = arith.constant 6 : i32
      %scan3A_264 = arith.addi %scan3A_182, %scan3A_263 : i32
      %mul3A_265 = arith.constant 16 : i32
      %mul3A_266 = arith.muli %scan3A_264, %mul3A_265 : i32
      %add3A_267 = arith.constant 5120 : i32
      %add3A_268 = arith.addi %add3A_267, %mul3A_266 : i32
      %get3A_269 = arith.index_cast %add3A_268 : i32 to index
      %get3A_270 = tpu.vector_load %arg5[%get3A_269] {strides = array<i32>} : memref<20480xi32, #tpu.memory_space<vmem>>, vector<16xi32>,
      %gather3A_271 = tpu.vector_load_idx %arg6[%get3A_270] : memref<100000xf32, #tpu.memory_space<vmem>>[vector<16xi32>], vector<16xf32>,
      %mul3A_272 = arith.constant 16 : i32
      %mul3A_273 = arith.muli %scan3A_264, %mul3A_272 : i32
      %swap3A_274 = arith.index_cast %mul3A_273 : i32 to index
      %swap3A_275 = tpu.vector_load %arg8[%swap3A_274] {strides = array<i32>} : memref<5120xf32, #tpu.memory_space<vmem>>, vector<16xf32>,
      tpu.vector_store %arg8[%swap3A_274], %gather3A_271 {strides = array<i32>} : memref<5120xf32, #tpu.memory_space<vmem>>, vector<16xf32>,
      %scan3A_276 = arith.constant 0 : i32
      %scan3A_277 = arith.constant 7 : i32
      %scan3A_278 = arith.addi %scan3A_182, %scan3A_277 : i32
      %mul3A_279 = arith.constant 16 : i32
      %mul3A_280 = arith.muli %scan3A_278, %mul3A_279 : i32
      %add3A_281 = arith.constant 5120 : i32
      %add3A_282 = arith.addi %add3A_281, %mul3A_280 : i32
      %get3A_283 = arith.index_cast %add3A_282 : i32 to index
      %get3A_284 = tpu.vector_load %arg5[%get3A_283] {strides = array<i32>} : memref<20480xi32, #tpu.memory_space<vmem>>, vector<16xi32>,
      %gather3A_285 = tpu.vector_load_idx %arg6[%get3A_284] : memref<100000xf32, #tpu.memory_space<vmem>>[vector<16xi32>], vector<16xf32>,
      %mul3A_286 = arith.constant 16 : i32
      %mul3A_287 = arith.muli %scan3A_278, %mul3A_286 : i32
      %swap3A_288 = arith.index_cast %mul3A_287 : i32 to index
      %swap3A_289 = tpu.vector_load %arg8[%swap3A_288] {strides = array<i32>} : memref<5120xf32, #tpu.memory_space<vmem>>, vector<16xf32>,
      tpu.vector_store %arg8[%swap3A_288], %gather3A_285 {strides = array<i32>} : memref<5120xf32, #tpu.memory_space<vmem>>, vector<16xf32>,
      %scan3A_290 = arith.constant 0 : i32
      scf.yield %scan3A_290 : i32
    }
    %scan3A_125 = arith.constant 320 : i32
    %dma_start3A_126 = arith.constant 5120 : i32
    %dma_start3A_127 = tpu.memref_slice %arg4[%add3A_81, %dma_start3A_126] : memref<64x20480xf32, #tpu.memory_space<hbm>> -> memref<1x5120xf32, #tpu.memory_space<hbm>>
    %dma_start3A_128 = tpu.memref_squeeze %dma_start3A_127 : memref<1x5120xf32, #tpu.memory_space<hbm>> -> memref<5120xf32, #tpu.memory_space<hbm>>
    %dma_start3A_129 = arith.constant 5120 : i32
    %dma_start3A_130 = tpu.memref_slice %arg4[%add3A_81, %dma_start3A_129] : memref<64x20480xf32, #tpu.memory_space<hbm>> -> memref<1x5120xf32, #tpu.memory_space<hbm>>
    %dma_start3A_131 = tpu.memref_squeeze %dma_start3A_130 : memref<1x5120xf32, #tpu.memory_space<hbm>> -> memref<5120xf32, #tpu.memory_space<hbm>>
    tpu.enqueue_dma source(%arg8 : memref<5120xf32, #tpu.memory_space<vmem>>) target(%dma_start3A_131 : memref<5120xf32, #tpu.memory_space<hbm>>) target_semaphore(%arg12 : memref<!tpu.dma_semaphore, #tpu.memory_space<semaphore_mem>>)
    %dma_wait3A_132 = arith.constant 0 : i32
    %dma_wait3A_133 = tpu.memref_slice %arg4[%add3A_81, %dma_wait3A_132] : memref<64x20480xf32, #tpu.memory_space<hbm>> -> memref<1x5120xf32, #tpu.memory_space<hbm>>
    %dma_wait3A_134 = tpu.memref_squeeze %dma_wait3A_133 : memref<1x5120xf32, #tpu.memory_space<hbm>> -> memref<5120xf32, #tpu.memory_space<hbm>>
    %dma_wait3A_135 = arith.constant 0 : i32
    %dma_wait3A_136 = tpu.memref_slice %arg4[%add3A_81, %dma_wait3A_135] : memref<64x20480xf32, #tpu.memory_space<hbm>> -> memref<1x5120xf32, #tpu.memory_space<hbm>>
    %dma_wait3A_137 = tpu.memref_squeeze %dma_wait3A_136 : memref<1x5120xf32, #tpu.memory_space<hbm>> -> memref<5120xf32, #tpu.memory_space<hbm>>
    tpu.wait_dma2 semaphore(%arg11 : memref<!tpu.dma_semaphore, #tpu.memory_space<semaphore_mem>>) src(%arg7 : memref<5120xf32, #tpu.memory_space<vmem>>) dst(%dma_wait3A_137 : memref<5120xf32, #tpu.memory_space<hbm>>)
    %scan3A_138 = arith.constant 0 : i32
    %scan3A_139 = arith.constant 0 : i32
    %scan3A_140 = arith.constant 320 : i32
    %scan3A_141 = arith.addi %scan3A_139, %scan3A_140 : i32
    %scan3A_142 = arith.constant 8 : i32
    %scan3A_143 = scf.for %scan3A_182 = %scan3A_139 to %scan3A_141 step %scan3A_142 iter_args(%scan3A_183 = %scan3A_138) -> (i32)  : i32 {
      %mul3A_184 = arith.constant 16 : i32
      %mul3A_185 = arith.muli %scan3A_182, %mul3A_184 : i32
      %add3A_186 = arith.constant 10240 : i32
      %add3A_187 = arith.addi %add3A_186, %mul3A_185 : i32
      %get3A = arith.index_cast %add3A_187 : i32 to index
      %get3A_188 = tpu.vector_load %arg5[%get3A] {strides = array<i32>} : memref<20480xi32, #tpu.memory_space<vmem>>, vector<16xi32>,
      %gather3A = tpu.vector_load_idx %arg6[%get3A_188] : memref<100000xf32, #tpu.memory_space<vmem>>[vector<16xi32>], vector<16xf32>,
      %mul3A_189 = arith.constant 16 : i32
      %mul3A_190 = arith.muli %scan3A_182, %mul3A_189 : i32
      %swap3A = arith.index_cast %mul3A_190 : i32 to index
      %swap3A_191 = tpu.vector_load %arg7[%swap3A] {strides = array<i32>} : memref<5120xf32, #tpu.memory_space<vmem>>, vector<16xf32>,
      tpu.vector_store %arg7[%swap3A], %gather3A {strides = array<i32>} : memref<5120xf32, #tpu.memory_space<vmem>>, vector<16xf32>,
      %scan3A_192 = arith.constant 0 : i32
      %scan3A_193 = arith.constant 1 : i32
      %scan3A_194 = arith.addi %scan3A_182, %scan3A_193 : i32
      %mul3A_195 = arith.constant 16 : i32
      %mul3A_196 = arith.muli %scan3A_194, %mul3A_195 : i32
      %add3A_197 = arith.constant 10240 : i32
      %add3A_198 = arith.addi %add3A_197, %mul3A_196 : i32
      %get3A_199 = arith.index_cast %add3A_198 : i32 to index
      %get3A_200 = tpu.vector_load %arg5[%get3A_199] {strides = array<i32>} : memref<20480xi32, #tpu.memory_space<vmem>>, vector<16xi32>,
      %gather3A_201 = tpu.vector_load_idx %arg6[%get3A_200] : memref<100000xf32, #tpu.memory_space<vmem>>[vector<16xi32>], vector<16xf32>,
      %mul3A_202 = arith.constant 16 : i32
      %mul3A_203 = arith.muli %scan3A_194, %mul3A_202 : i32
      %swap3A_204 = arith.index_cast %mul3A_203 : i32 to index
      %swap3A_205 = tpu.vector_load %arg7[%swap3A_204] {strides = array<i32>} : memref<5120xf32, #tpu.memory_space<vmem>>, vector<16xf32>,
      tpu.vector_store %arg7[%swap3A_204], %gather3A_201 {strides = array<i32>} : memref<5120xf32, #tpu.memory_space<vmem>>, vector<16xf32>,
      %scan3A_206 = arith.constant 0 : i32
      %scan3A_207 = arith.constant 2 : i32
      %scan3A_208 = arith.addi %scan3A_182, %scan3A_207 : i32
      %mul3A_209 = arith.constant 16 : i32
      %mul3A_210 = arith.muli %scan3A_208, %mul3A_209 : i32
      %add3A_211 = arith.constant 10240 : i32
      %add3A_212 = arith.addi %add3A_211, %mul3A_210 : i32
      %get3A_213 = arith.index_cast %add3A_212 : i32 to index
      %get3A_214 = tpu.vector_load %arg5[%get3A_213] {strides = array<i32>} : memref<20480xi32, #tpu.memory_space<vmem>>, vector<16xi32>,
      %gather3A_215 = tpu.vector_load_idx %arg6[%get3A_214] : memref<100000xf32, #tpu.memory_space<vmem>>[vector<16xi32>], vector<16xf32>,
      %mul3A_216 = arith.constant 16 : i32
      %mul3A_217 = arith.muli %scan3A_208, %mul3A_216 : i32
      %swap3A_218 = arith.index_cast %mul3A_217 : i32 to index
      %swap3A_219 = tpu.vector_load %arg7[%swap3A_218] {strides = array<i32>} : memref<5120xf32, #tpu.memory_space<vmem>>, vector<16xf32>,
      tpu.vector_store %arg7[%swap3A_218], %gather3A_215 {strides = array<i32>} : memref<5120xf32, #tpu.memory_space<vmem>>, vector<16xf32>,
      %scan3A_220 = arith.constant 0 : i32
      %scan3A_221 = arith.constant 3 : i32
      %scan3A_222 = arith.addi %scan3A_182, %scan3A_221 : i32
      %mul3A_223 = arith.constant 16 : i32
      %mul3A_224 = arith.muli %scan3A_222, %mul3A_223 : i32
      %add3A_225 = arith.constant 10240 : i32
      %add3A_226 = arith.addi %add3A_225, %mul3A_224 : i32
      %get3A_227 = arith.index_cast %add3A_226 : i32 to index
      %get3A_228 = tpu.vector_load %arg5[%get3A_227] {strides = array<i32>} : memref<20480xi32, #tpu.memory_space<vmem>>, vector<16xi32>,
      %gather3A_229 = tpu.vector_load_idx %arg6[%get3A_228] : memref<100000xf32, #tpu.memory_space<vmem>>[vector<16xi32>], vector<16xf32>,
      %mul3A_230 = arith.constant 16 : i32
      %mul3A_231 = arith.muli %scan3A_222, %mul3A_230 : i32
      %swap3A_232 = arith.index_cast %mul3A_231 : i32 to index
      %swap3A_233 = tpu.vector_load %arg7[%swap3A_232] {strides = array<i32>} : memref<5120xf32, #tpu.memory_space<vmem>>, vector<16xf32>,
      tpu.vector_store %arg7[%swap3A_232], %gather3A_229 {strides = array<i32>} : memref<5120xf32, #tpu.memory_space<vmem>>, vector<16xf32>,
      %scan3A_234 = arith.constant 0 : i32
      %scan3A_235 = arith.constant 4 : i32
      %scan3A_236 = arith.addi %scan3A_182, %scan3A_235 : i32
      %mul3A_237 = arith.constant 16 : i32
      %mul3A_238 = arith.muli %scan3A_236, %mul3A_237 : i32
      %add3A_239 = arith.constant 10240 : i32
      %add3A_240 = arith.addi %add3A_239, %mul3A_238 : i32
      %get3A_241 = arith.index_cast %add3A_240 : i32 to index
      %get3A_242 = tpu.vector_load %arg5[%get3A_241] {strides = array<i32>} : memref<20480xi32, #tpu.memory_space<vmem>>, vector<16xi32>,
      %gather3A_243 = tpu.vector_load_idx %arg6[%get3A_242] : memref<100000xf32, #tpu.memory_space<vmem>>[vector<16xi32>], vector<16xf32>,
      %mul3A_244 = arith.constant 16 : i32
      %mul3A_245 = arith.muli %scan3A_236, %mul3A_244 : i32
      %swap3A_246 = arith.index_cast %mul3A_245 : i32 to index
      %swap3A_247 = tpu.vector_load %arg7[%swap3A_246] {strides = array<i32>} : memref<5120xf32, #tpu.memory_space<vmem>>, vector<16xf32>,
      tpu.vector_store %arg7[%swap3A_246], %gather3A_243 {strides = array<i32>} : memref<5120xf32, #tpu.memory_space<vmem>>, vector<16xf32>,
      %scan3A_248 = arith.constant 0 : i32
      %scan3A_249 = arith.constant 5 : i32
      %scan3A_250 = arith.addi %scan3A_182, %scan3A_249 : i32
      %mul3A_251 = arith.constant 16 : i32
      %mul3A_252 = arith.muli %scan3A_250, %mul3A_251 : i32
      %add3A_253 = arith.constant 10240 : i32
      %add3A_254 = arith.addi %add3A_253, %mul3A_252 : i32
      %get3A_255 = arith.index_cast %add3A_254 : i32 to index
      %get3A_256 = tpu.vector_load %arg5[%get3A_255] {strides = array<i32>} : memref<20480xi32, #tpu.memory_space<vmem>>, vector<16xi32>,
      %gather3A_257 = tpu.vector_load_idx %arg6[%get3A_256] : memref<100000xf32, #tpu.memory_space<vmem>>[vector<16xi32>], vector<16xf32>,
      %mul3A_258 = arith.constant 16 : i32
      %mul3A_259 = arith.muli %scan3A_250, %mul3A_258 : i32
      %swap3A_260 = arith.index_cast %mul3A_259 : i32 to index
      %swap3A_261 = tpu.vector_load %arg7[%swap3A_260] {strides = array<i32>} : memref<5120xf32, #tpu.memory_space<vmem>>, vector<16xf32>,
      tpu.vector_store %arg7[%swap3A_260], %gather3A_257 {strides = array<i32>} : memref<5120xf32, #tpu.memory_space<vmem>>, vector<16xf32>,
      %scan3A_262 = arith.constant 0 : i32
      %scan3A_263 = arith.constant 6 : i32
      %scan3A_264 = arith.addi %scan3A_182, %scan3A_263 : i32
      %mul3A_265 = arith.constant 16 : i32
      %mul3A_266 = arith.muli %scan3A_264, %mul3A_265 : i32
      %add3A_267 = arith.constant 10240 : i32
      %add3A_268 = arith.addi %add3A_267, %mul3A_266 : i32
      %get3A_269 = arith.index_cast %add3A_268 : i32 to index
      %get3A_270 = tpu.vector_load %arg5[%get3A_269] {strides = array<i32>} : memref<20480xi32, #tpu.memory_space<vmem>>, vector<16xi32>,
      %gather3A_271 = tpu.vector_load_idx %arg6[%get3A_270] : memref<100000xf32, #tpu.memory_space<vmem>>[vector<16xi32>], vector<16xf32>,
      %mul3A_272 = arith.constant 16 : i32
      %mul3A_273 = arith.muli %scan3A_264, %mul3A_272 : i32
      %swap3A_274 = arith.index_cast %mul3A_273 : i32 to index
      %swap3A_275 = tpu.vector_load %arg7[%swap3A_274] {strides = array<i32>} : memref<5120xf32, #tpu.memory_space<vmem>>, vector<16xf32>,
      tpu.vector_store %arg7[%swap3A_274], %gather3A_271 {strides = array<i32>} : memref<5120xf32, #tpu.memory_space<vmem>>, vector<16xf32>,
      %scan3A_276 = arith.constant 0 : i32
      %scan3A_277 = arith.constant 7 : i32
      %scan3A_278 = arith.addi %scan3A_182, %scan3A_277 : i32
      %mul3A_279 = arith.constant 16 : i32
      %mul3A_280 = arith.muli %scan3A_278, %mul3A_279 : i32
      %add3A_281 = arith.constant 10240 : i32
      %add3A_282 = arith.addi %add3A_281, %mul3A_280 : i32
      %get3A_283 = arith.index_cast %add3A_282 : i32 to index
      %get3A_284 = tpu.vector_load %arg5[%get3A_283] {strides = array<i32>} : memref<20480xi32, #tpu.memory_space<vmem>>, vector<16xi32>,
      %gather3A_285 = tpu.vector_load_idx %arg6[%get3A_284] : memref<100000xf32, #tpu.memory_space<vmem>>[vector<16xi32>], vector<16xf32>,
      %mul3A_286 = arith.constant 16 : i32
      %mul3A_287 = arith.muli %scan3A_278, %mul3A_286 : i32
      %swap3A_288 = arith.index_cast %mul3A_287 : i32 to index
      %swap3A_289 = tpu.vector_load %arg7[%swap3A_288] {strides = array<i32>} : memref<5120xf32, #tpu.memory_space<vmem>>, vector<16xf32>,
      tpu.vector_store %arg7[%swap3A_288], %gather3A_285 {strides = array<i32>} : memref<5120xf32, #tpu.memory_space<vmem>>, vector<16xf32>,
      %scan3A_290 = arith.constant 0 : i32
      scf.yield %scan3A_290 : i32
    }
    %scan3A_144 = arith.constant 320 : i32
    %dma_start3A_145 = arith.constant 10240 : i32
    %dma_start3A_146 = tpu.memref_slice %arg4[%add3A_81, %dma_start3A_145] : memref<64x20480xf32, #tpu.memory_space<hbm>> -> memref<1x5120xf32, #tpu.memory_space<hbm>>
    %dma_start3A_147 = tpu.memref_squeeze %dma_start3A_146 : memref<1x5120xf32, #tpu.memory_space<hbm>> -> memref<5120xf32, #tpu.memory_space<hbm>>
    %dma_start3A_148 = arith.constant 10240 : i32
    %dma_start3A_149 = tpu.memref_slice %arg4[%add3A_81, %dma_start3A_148] : memref<64x20480xf32, #tpu.memory_space<hbm>> -> memref<1x5120xf32, #tpu.memory_space<hbm>>
    %dma_start3A_150 = tpu.memref_squeeze %dma_start3A_149 : memref<1x5120xf32, #tpu.memory_space<hbm>> -> memref<5120xf32, #tpu.memory_space<hbm>>
    tpu.enqueue_dma source(%arg7 : memref<5120xf32, #tpu.memory_space<vmem>>) target(%dma_start3A_150 : memref<5120xf32, #tpu.memory_space<hbm>>) target_semaphore(%arg11 : memref<!tpu.dma_semaphore, #tpu.memory_space<semaphore_mem>>)
    %dma_wait3A_151 = arith.constant 5120 : i32
    %dma_wait3A_152 = tpu.memref_slice %arg4[%add3A_81, %dma_wait3A_151] : memref<64x20480xf32, #tpu.memory_space<hbm>> -> memref<1x5120xf32, #tpu.memory_space<hbm>>
    %dma_wait3A_153 = tpu.memref_squeeze %dma_wait3A_152 : memref<1x5120xf32, #tpu.memory_space<hbm>> -> memref<5120xf32, #tpu.memory_space<hbm>>
    %dma_wait3A_154 = arith.constant 5120 : i32
    %dma_wait3A_155 = tpu.memref_slice %arg4[%add3A_81, %dma_wait3A_154] : memref<64x20480xf32, #tpu.memory_space<hbm>> -> memref<1x5120xf32, #tpu.memory_space<hbm>>
    %dma_wait3A_156 = tpu.memref_squeeze %dma_wait3A_155 : memref<1x5120xf32, #tpu.memory_space<hbm>> -> memref<5120xf32, #tpu.memory_space<hbm>>
    tpu.wait_dma2 semaphore(%arg12 : memref<!tpu.dma_semaphore, #tpu.memory_space<semaphore_mem>>) src(%arg8 : memref<5120xf32, #tpu.memory_space<vmem>>) dst(%dma_wait3A_156 : memref<5120xf32, #tpu.memory_space<hbm>>)
    %scan3A_157 = arith.constant 0 : i32
    %scan3A_158 = arith.constant 0 : i32
    %scan3A_159 = arith.constant 320 : i32
    %scan3A_160 = arith.addi %scan3A_158, %scan3A_159 : i32
    %scan3A_161 = arith.constant 8 : i32
    %scan3A_162 = scf.for %scan3A_182 = %scan3A_158 to %scan3A_160 step %scan3A_161 iter_args(%scan3A_183 = %scan3A_157) -> (i32)  : i32 {
      %mul3A_184 = arith.constant 16 : i32
      %mul3A_185 = arith.muli %scan3A_182, %mul3A_184 : i32
      %add3A_186 = arith.constant 15360 : i32
      %add3A_187 = arith.addi %add3A_186, %mul3A_185 : i32
      %get3A = arith.index_cast %add3A_187 : i32 to index
      %get3A_188 = tpu.vector_load %arg5[%get3A] {strides = array<i32>} : memref<20480xi32, #tpu.memory_space<vmem>>, vector<16xi32>,
      %gather3A = tpu.vector_load_idx %arg6[%get3A_188] : memref<100000xf32, #tpu.memory_space<vmem>>[vector<16xi32>], vector<16xf32>,
      %mul3A_189 = arith.constant 16 : i32
      %mul3A_190 = arith.muli %scan3A_182, %mul3A_189 : i32
      %swap3A = arith.index_cast %mul3A_190 : i32 to index
      %swap3A_191 = tpu.vector_load %arg8[%swap3A] {strides = array<i32>} : memref<5120xf32, #tpu.memory_space<vmem>>, vector<16xf32>,
      tpu.vector_store %arg8[%swap3A], %gather3A {strides = array<i32>} : memref<5120xf32, #tpu.memory_space<vmem>>, vector<16xf32>,
      %scan3A_192 = arith.constant 0 : i32
      %scan3A_193 = arith.constant 1 : i32
      %scan3A_194 = arith.addi %scan3A_182, %scan3A_193 : i32
      %mul3A_195 = arith.constant 16 : i32
      %mul3A_196 = arith.muli %scan3A_194, %mul3A_195 : i32
      %add3A_197 = arith.constant 15360 : i32
      %add3A_198 = arith.addi %add3A_197, %mul3A_196 : i32
      %get3A_199 = arith.index_cast %add3A_198 : i32 to index
      %get3A_200 = tpu.vector_load %arg5[%get3A_199] {strides = array<i32>} : memref<20480xi32, #tpu.memory_space<vmem>>, vector<16xi32>,
      %gather3A_201 = tpu.vector_load_idx %arg6[%get3A_200] : memref<100000xf32, #tpu.memory_space<vmem>>[vector<16xi32>], vector<16xf32>,
      %mul3A_202 = arith.constant 16 : i32
      %mul3A_203 = arith.muli %scan3A_194, %mul3A_202 : i32
      %swap3A_204 = arith.index_cast %mul3A_203 : i32 to index
      %swap3A_205 = tpu.vector_load %arg8[%swap3A_204] {strides = array<i32>} : memref<5120xf32, #tpu.memory_space<vmem>>, vector<16xf32>,
      tpu.vector_store %arg8[%swap3A_204], %gather3A_201 {strides = array<i32>} : memref<5120xf32, #tpu.memory_space<vmem>>, vector<16xf32>,
      %scan3A_206 = arith.constant 0 : i32
      %scan3A_207 = arith.constant 2 : i32
      %scan3A_208 = arith.addi %scan3A_182, %scan3A_207 : i32
      %mul3A_209 = arith.constant 16 : i32
      %mul3A_210 = arith.muli %scan3A_208, %mul3A_209 : i32
      %add3A_211 = arith.constant 15360 : i32
      %add3A_212 = arith.addi %add3A_211, %mul3A_210 : i32
      %get3A_213 = arith.index_cast %add3A_212 : i32 to index
      %get3A_214 = tpu.vector_load %arg5[%get3A_213] {strides = array<i32>} : memref<20480xi32, #tpu.memory_space<vmem>>, vector<16xi32>,
      %gather3A_215 = tpu.vector_load_idx %arg6[%get3A_214] : memref<100000xf32, #tpu.memory_space<vmem>>[vector<16xi32>], vector<16xf32>,
      %mul3A_216 = arith.constant 16 : i32
      %mul3A_217 = arith.muli %scan3A_208, %mul3A_216 : i32
      %swap3A_218 = arith.index_cast %mul3A_217 : i32 to index
      %swap3A_219 = tpu.vector_load %arg8[%swap3A_218] {strides = array<i32>} : memref<5120xf32, #tpu.memory_space<vmem>>, vector<16xf32>,
      tpu.vector_store %arg8[%swap3A_218], %gather3A_215 {strides = array<i32>} : memref<5120xf32, #tpu.memory_space<vmem>>, vector<16xf32>,
      %scan3A_220 = arith.constant 0 : i32
      %scan3A_221 = arith.constant 3 : i32
      %scan3A_222 = arith.addi %scan3A_182, %scan3A_221 : i32
      %mul3A_223 = arith.constant 16 : i32
      %mul3A_224 = arith.muli %scan3A_222, %mul3A_223 : i32
      %add3A_225 = arith.constant 15360 : i32
      %add3A_226 = arith.addi %add3A_225, %mul3A_224 : i32
      %get3A_227 = arith.index_cast %add3A_226 : i32 to index
      %get3A_228 = tpu.vector_load %arg5[%get3A_227] {strides = array<i32>} : memref<20480xi32, #tpu.memory_space<vmem>>, vector<16xi32>,
      %gather3A_229 = tpu.vector_load_idx %arg6[%get3A_228] : memref<100000xf32, #tpu.memory_space<vmem>>[vector<16xi32>], vector<16xf32>,
      %mul3A_230 = arith.constant 16 : i32
      %mul3A_231 = arith.muli %scan3A_222, %mul3A_230 : i32
      %swap3A_232 = arith.index_cast %mul3A_231 : i32 to index
      %swap3A_233 = tpu.vector_load %arg8[%swap3A_232] {strides = array<i32>} : memref<5120xf32, #tpu.memory_space<vmem>>, vector<16xf32>,
      tpu.vector_store %arg8[%swap3A_232], %gather3A_229 {strides = array<i32>} : memref<5120xf32, #tpu.memory_space<vmem>>, vector<16xf32>,
      %scan3A_234 = arith.constant 0 : i32
      %scan3A_235 = arith.constant 4 : i32
      %scan3A_236 = arith.addi %scan3A_182, %scan3A_235 : i32
      %mul3A_237 = arith.constant 16 : i32
      %mul3A_238 = arith.muli %scan3A_236, %mul3A_237 : i32
      %add3A_239 = arith.constant 15360 : i32
      %add3A_240 = arith.addi %add3A_239, %mul3A_238 : i32
      %get3A_241 = arith.index_cast %add3A_240 : i32 to index
      %get3A_242 = tpu.vector_load %arg5[%get3A_241] {strides = array<i32>} : memref<20480xi32, #tpu.memory_space<vmem>>, vector<16xi32>,
      %gather3A_243 = tpu.vector_load_idx %arg6[%get3A_242] : memref<100000xf32, #tpu.memory_space<vmem>>[vector<16xi32>], vector<16xf32>,
      %mul3A_244 = arith.constant 16 : i32
      %mul3A_245 = arith.muli %scan3A_236, %mul3A_244 : i32
      %swap3A_246 = arith.index_cast %mul3A_245 : i32 to index
      %swap3A_247 = tpu.vector_load %arg8[%swap3A_246] {strides = array<i32>} : memref<5120xf32, #tpu.memory_space<vmem>>, vector<16xf32>,
      tpu.vector_store %arg8[%swap3A_246], %gather3A_243 {strides = array<i32>} : memref<5120xf32, #tpu.memory_space<vmem>>, vector<16xf32>,
      %scan3A_248 = arith.constant 0 : i32
      %scan3A_249 = arith.constant 5 : i32
      %scan3A_250 = arith.addi %scan3A_182, %scan3A_249 : i32
      %mul3A_251 = arith.constant 16 : i32
      %mul3A_252 = arith.muli %scan3A_250, %mul3A_251 : i32
      %add3A_253 = arith.constant 15360 : i32
      %add3A_254 = arith.addi %add3A_253, %mul3A_252 : i32
      %get3A_255 = arith.index_cast %add3A_254 : i32 to index
      %get3A_256 = tpu.vector_load %arg5[%get3A_255] {strides = array<i32>} : memref<20480xi32, #tpu.memory_space<vmem>>, vector<16xi32>,
      %gather3A_257 = tpu.vector_load_idx %arg6[%get3A_256] : memref<100000xf32, #tpu.memory_space<vmem>>[vector<16xi32>], vector<16xf32>,
      %mul3A_258 = arith.constant 16 : i32
      %mul3A_259 = arith.muli %scan3A_250, %mul3A_258 : i32
      %swap3A_260 = arith.index_cast %mul3A_259 : i32 to index
      %swap3A_261 = tpu.vector_load %arg8[%swap3A_260] {strides = array<i32>} : memref<5120xf32, #tpu.memory_space<vmem>>, vector<16xf32>,
      tpu.vector_store %arg8[%swap3A_260], %gather3A_257 {strides = array<i32>} : memref<5120xf32, #tpu.memory_space<vmem>>, vector<16xf32>,
      %scan3A_262 = arith.constant 0 : i32
      %scan3A_263 = arith.constant 6 : i32
      %scan3A_264 = arith.addi %scan3A_182, %scan3A_263 : i32
      %mul3A_265 = arith.constant 16 : i32
      %mul3A_266 = arith.muli %scan3A_264, %mul3A_265 : i32
      %add3A_267 = arith.constant 15360 : i32
      %add3A_268 = arith.addi %add3A_267, %mul3A_266 : i32
      %get3A_269 = arith.index_cast %add3A_268 : i32 to index
      %get3A_270 = tpu.vector_load %arg5[%get3A_269] {strides = array<i32>} : memref<20480xi32, #tpu.memory_space<vmem>>, vector<16xi32>,
      %gather3A_271 = tpu.vector_load_idx %arg6[%get3A_270] : memref<100000xf32, #tpu.memory_space<vmem>>[vector<16xi32>], vector<16xf32>,
      %mul3A_272 = arith.constant 16 : i32
      %mul3A_273 = arith.muli %scan3A_264, %mul3A_272 : i32
      %swap3A_274 = arith.index_cast %mul3A_273 : i32 to index
      %swap3A_275 = tpu.vector_load %arg8[%swap3A_274] {strides = array<i32>} : memref<5120xf32, #tpu.memory_space<vmem>>, vector<16xf32>,
      tpu.vector_store %arg8[%swap3A_274], %gather3A_271 {strides = array<i32>} : memref<5120xf32, #tpu.memory_space<vmem>>, vector<16xf32>,
      %scan3A_276 = arith.constant 0 : i32
      %scan3A_277 = arith.constant 7 : i32
      %scan3A_278 = arith.addi %scan3A_182, %scan3A_277 : i32
      %mul3A_279 = arith.constant 16 : i32
      %mul3A_280 = arith.muli %scan3A_278, %mul3A_279 : i32
      %add3A_281 = arith.constant 15360 : i32
      %add3A_282 = arith.addi %add3A_281, %mul3A_280 : i32
      %get3A_283 = arith.index_cast %add3A_282 : i32 to index
      %get3A_284 = tpu.vector_load %arg5[%get3A_283] {strides = array<i32>} : memref<20480xi32, #tpu.memory_space<vmem>>, vector<16xi32>,
      %gather3A_285 = tpu.vector_load_idx %arg6[%get3A_284] : memref<100000xf32, #tpu.memory_space<vmem>>[vector<16xi32>], vector<16xf32>,
      %mul3A_286 = arith.constant 16 : i32
      %mul3A_287 = arith.muli %scan3A_278, %mul3A_286 : i32
      %swap3A_288 = arith.index_cast %mul3A_287 : i32 to index
      %swap3A_289 = tpu.vector_load %arg8[%swap3A_288] {strides = array<i32>} : memref<5120xf32, #tpu.memory_space<vmem>>, vector<16xf32>,
      tpu.vector_store %arg8[%swap3A_288], %gather3A_285 {strides = array<i32>} : memref<5120xf32, #tpu.memory_space<vmem>>, vector<16xf32>,
      %scan3A_290 = arith.constant 0 : i32
      scf.yield %scan3A_290 : i32
    }
    %scan3A_163 = arith.constant 320 : i32
    %dma_start3A_164 = arith.constant 15360 : i32
    %dma_start3A_165 = tpu.memref_slice %arg4[%add3A_81, %dma_start3A_164] : memref<64x20480xf32, #tpu.memory_space<hbm>> -> memref<1x5120xf32, #tpu.memory_space<hbm>>
    %dma_start3A_166 = tpu.memref_squeeze %dma_start3A_165 : memref<1x5120xf32, #tpu.memory_space<hbm>> -> memref<5120xf32, #tpu.memory_space<hbm>>
    %dma_start3A_167 = arith.constant 15360 : i32
    %dma_start3A_168 = tpu.memref_slice %arg4[%add3A_81, %dma_start3A_167] : memref<64x20480xf32, #tpu.memory_space<hbm>> -> memref<1x5120xf32, #tpu.memory_space<hbm>>
    %dma_start3A_169 = tpu.memref_squeeze %dma_start3A_168 : memref<1x5120xf32, #tpu.memory_space<hbm>> -> memref<5120xf32, #tpu.memory_space<hbm>>
    tpu.enqueue_dma source(%arg8 : memref<5120xf32, #tpu.memory_space<vmem>>) target(%dma_start3A_169 : memref<5120xf32, #tpu.memory_space<hbm>>) target_semaphore(%arg12 : memref<!tpu.dma_semaphore, #tpu.memory_space<semaphore_mem>>)
    %dma_wait3A_170 = arith.constant 10240 : i32
    %dma_wait3A_171 = tpu.memref_slice %arg4[%add3A_81, %dma_wait3A_170] : memref<64x20480xf32, #tpu.memory_space<hbm>> -> memref<1x5120xf32, #tpu.memory_space<hbm>>
    %dma_wait3A_172 = tpu.memref_squeeze %dma_wait3A_171 : memref<1x5120xf32, #tpu.memory_space<hbm>> -> memref<5120xf32, #tpu.memory_space<hbm>>
    %dma_wait3A_173 = arith.constant 10240 : i32
    %dma_wait3A_174 = tpu.memref_slice %arg4[%add3A_81, %dma_wait3A_173] : memref<64x20480xf32, #tpu.memory_space<hbm>> -> memref<1x5120xf32, #tpu.memory_space<hbm>>
    %dma_wait3A_175 = tpu.memref_squeeze %dma_wait3A_174 : memref<1x5120xf32, #tpu.memory_space<hbm>> -> memref<5120xf32, #tpu.memory_space<hbm>>
    tpu.wait_dma2 semaphore(%arg11 : memref<!tpu.dma_semaphore, #tpu.memory_space<semaphore_mem>>) src(%arg7 : memref<5120xf32, #tpu.memory_space<vmem>>) dst(%dma_wait3A_175 : memref<5120xf32, #tpu.memory_space<hbm>>)
    %dma_wait3A_176 = arith.constant 15360 : i32
    %dma_wait3A_177 = tpu.memref_slice %arg4[%add3A_81, %dma_wait3A_176] : memref<64x20480xf32, #tpu.memory_space<hbm>> -> memref<1x5120xf32, #tpu.memory_space<hbm>>
    %dma_wait3A_178 = tpu.memref_squeeze %dma_wait3A_177 : memref<1x5120xf32, #tpu.memory_space<hbm>> -> memref<5120xf32, #tpu.memory_space<hbm>>
    %dma_wait3A_179 = arith.constant 15360 : i32
    %dma_wait3A_180 = tpu.memref_slice %arg4[%add3A_81, %dma_wait3A_179] : memref<64x20480xf32, #tpu.memory_space<hbm>> -> memref<1x5120xf32, #tpu.memory_space<hbm>>
    %dma_wait3A_181 = tpu.memref_squeeze %dma_wait3A_180 : memref<1x5120xf32, #tpu.memory_space<hbm>> -> memref<5120xf32, #tpu.memory_space<hbm>>
    tpu.wait_dma2 semaphore(%arg12 : memref<!tpu.dma_semaphore, #tpu.memory_space<semaphore_mem>>) src(%arg8 : memref<5120xf32, #tpu.memory_space<vmem>>) dst(%dma_wait3A_181 : memref<5120xf32, #tpu.memory_space<hbm>>)
    return
  }
}

module attributes {stable_mosaic.version = 14 : i64} {
  func.func @body(%arg0: i32, %arg1: memref<64x20480xf32, #tpu.memory_space<vmem>>, %arg2: memref<64x1xf32, #tpu.memory_space<vmem>>, %arg3: memref<16x64xf32, #tpu.memory_space<vmem>>, %arg4: memref<64x20480xf32, #tpu.memory_space<vmem>>, %arg5: memref<128x20480xf32, #tpu.memory_space<vmem>>) attributes {dimension_semantics = [#tpu.dimension_semantics<arbitrary>], iteration_bounds = array<i64: 8>, scalar_prefetch = 0 : i64, scratch_operands = 0 : i64, tpu.core_type = #tpu.core_type<tc>, window_params = [{pipeline_mode = #tpu.pipeline_mode<synchronous>, transform_indices = @transform_0, window_bounds = array<i64: 64, 20480>}, {pipeline_mode = #tpu.pipeline_mode<synchronous>, transform_indices = @transform_1, window_bounds = array<i64: 64, 1>}, {pipeline_mode = #tpu.pipeline_mode<synchronous>, transform_indices = @transform_2, window_bounds = array<i64: 16, 64>}, {pipeline_mode = #tpu.pipeline_mode<synchronous>, transform_indices = @transform_3, window_bounds = array<i64: 64, 20480>}, {transform_indices = @transform_4, window_bounds = array<i64: 128, 20480>}]} {
    %get3A = arith.constant 0 : index
    %get3A_0 = arith.constant 0 : index
    %get3A_1 = vector.load %arg1[%get3A, %get3A_0] : memref<64x20480xf32, #tpu.memory_space<vmem>>, vector<64x20480xf32>
    %get3A_2 = arith.constant 0 : index
    %get3A_3 = arith.constant 0 : index
    %get3A_4 = vector.load %arg2[%get3A_2, %get3A_3] : memref<64x1xf32, #tpu.memory_space<vmem>>, vector<64x1xf32>
    %ge3A = vector.broadcast %get3A_4 : vector<64x1xf32> to vector<64x20480xf32>
    %ge3A_5 = arith.cmpf oge, %get3A_1, %ge3A : vector<64x20480xf32>
    %convert_element_type3A = arith.extui %ge3A_5 : vector<64x20480xi1> to vector<64x20480xi32>
    %convert_element_type3A_6 = arith.sitofp %convert_element_type3A : vector<64x20480xi32> to vector<64x20480xf32>
    %mul3A = arith.mulf %convert_element_type3A_6, %get3A_1 : vector<64x20480xf32>
    %get3A_7 = arith.constant 0 : index
    %get3A_8 = arith.constant 0 : index
    %get3A_9 = vector.load %arg3[%get3A_7, %get3A_8] : memref<16x64xf32, #tpu.memory_space<vmem>>, vector<16x64xf32>
    %concatenate3A = tpu.concatenate %get3A_9, %get3A_9, %get3A_9, %get3A_9, %get3A_9, %get3A_9, %get3A_9, %get3A_9 in 0 : vector<16x64xf32>, vector<16x64xf32>, vector<16x64xf32>, vector<16x64xf32>, vector<16x64xf32>, vector<16x64xf32>, vector<16x64xf32>, vector<16x64xf32> -> vector<128x64xf32>
    %iota3A = tpu.iota {dimensions = array<i32: 0>} : vector<128x64xi32>
    %mul3A_10 = arith.constant 128 : i32
    %mul3A_11 = arith.muli %arg0, %mul3A_10 : i32
    %add3A = vector.broadcast %mul3A_11 : i32 to vector<128x64xi32>
    %add3A_12 = arith.addi %iota3A, %add3A : vector<128x64xi32>
    %iota3A_13 = tpu.iota {dimensions = array<i32: 1>} : vector<128x64xi32>
    %jit3A = arith.constant 16 : i32
    %div3A = vector.broadcast %jit3A : i32 to vector<128x64xi32>
    %div3A_14 = arith.divsi %add3A_12, %div3A : vector<128x64xi32>
    %sign3A = arith.constant 0 : i32
    %sign3A_15 = vector.broadcast %sign3A : i32 to vector<128x64xi32>
    %sign3A_16 = arith.cmpi sgt, %add3A_12, %sign3A_15 : vector<128x64xi32>
    %sign3A_17 = arith.extui %sign3A_16 : vector<128x64xi1> to vector<128x64xi32>
    %sign3A_18 = arith.constant 0 : i32
    %sign3A_19 = vector.broadcast %sign3A_18 : i32 to vector<128x64xi32>
    %sign3A_20 = arith.cmpi slt, %add3A_12, %sign3A_19 : vector<128x64xi32>
    %sign3A_21 = arith.extui %sign3A_20 : vector<128x64xi1> to vector<128x64xi32>
    %sign3A_22 = arith.subi %sign3A_17, %sign3A_21 : vector<128x64xi32>
    %sign3A_23 = arith.constant 0 : i32
    %sign3A_24 = arith.cmpi sgt, %jit3A, %sign3A_23 : i32
    %sign3A_25 = arith.extui %sign3A_24 : i1 to i32
    %sign3A_26 = arith.constant 0 : i32
    %sign3A_27 = arith.cmpi slt, %jit3A, %sign3A_26 : i32
    %sign3A_28 = arith.extui %sign3A_27 : i1 to i32
    %sign3A_29 = arith.subi %sign3A_25, %sign3A_28 : i32
    %ne3A = vector.broadcast %sign3A_29 : i32 to vector<128x64xi32>
    %ne3A_30 = arith.cmpi ne, %sign3A_22, %ne3A : vector<128x64xi32>
    %rem3A = vector.broadcast %jit3A : i32 to vector<128x64xi32>
    %rem3A_31 = arith.remsi %add3A_12, %rem3A : vector<128x64xi32>
    %ne3A_32 = arith.constant 0 : i32
    %ne3A_33 = vector.broadcast %ne3A_32 : i32 to vector<128x64xi32>
    %ne3A_34 = arith.cmpi ne, %rem3A_31, %ne3A_33 : vector<128x64xi32>
    %and3A = arith.andi %ne3A_30, %ne3A_34 : vector<128x64xi1>
    %sub3A = arith.constant 1 : i32
    %sub3A_35 = vector.broadcast %sub3A : i32 to vector<128x64xi32>
    %sub3A_36 = arith.subi %div3A_14, %sub3A_35 : vector<128x64xi32>
    %select_n3A = arith.select %and3A, %sub3A_36, %div3A_14 : vector<128x64xi1>, vector<128x64xi32>
    %eq3A = arith.cmpi eq, %select_n3A, %iota3A_13 : vector<128x64xi32>
    %jit3A_37 = arith.constant 0.000000e+00 : f32
    %broadcast_in_dim3A = vector.broadcast %jit3A_37 : f32 to vector<128x64xf32>
    %select_n3A_38 = arith.select %eq3A, %concatenate3A, %broadcast_in_dim3A : vector<128x64xi1>, vector<128x64xf32>
    %dot_general3A = arith.constant dense<0.000000e+00> : vector<128x20480xf32>
    %dot_general3A_39 = tpu.matmul %select_n3A_38, %mul3A, %dot_general3A {dimension_numbers = #tpu.dot_dimension_numbers<[1], [0], [0], [1], [0, 0, 1, 1], [], []>, transpose_lhs_hint = false} : vector<128x64xf32>, vector<64x20480xf32>, vector<128x20480xf32> -> vector<128x20480xf32>
    %swap3A = arith.constant 0 : index
    %swap3A_40 = arith.constant 0 : index
    %swap3A_41 = vector.load %arg5[%swap3A, %swap3A_40] : memref<128x20480xf32, #tpu.memory_space<vmem>>, vector<128x20480xf32>
    tpu.vector_store %arg5[%swap3A, %swap3A_40], %dot_general3A_39 {strides = array<i32>} : memref<128x20480xf32, #tpu.memory_space<vmem>>, vector<128x20480xf32>,
    %swap3A_42 = arith.constant 0 : index
    %swap3A_43 = arith.constant 0 : index
    %swap3A_44 = vector.load %arg4[%swap3A_42, %swap3A_43] : memref<64x20480xf32, #tpu.memory_space<vmem>>, vector<64x20480xf32>
    tpu.vector_store %arg4[%swap3A_42, %swap3A_43], %convert_element_type3A_6 {strides = array<i32>} : memref<64x20480xf32, #tpu.memory_space<vmem>>, vector<64x20480xf32>,
    return
  }
  func.func @transform_0(%arg0: i32) -> (i32, i32) {
    %c0_i32 = arith.constant 0 : i32
    %c0_i32_0 = arith.constant 0 : i32
    %c0_i32_1 = arith.constant 0 : i32
    return %c0_i32, %c0_i32_0 : i32, i32
  }
  func.func @transform_1(%arg0: i32) -> (i32, i32) {
    %c0_i32 = arith.constant 0 : i32
    %c0_i32_0 = arith.constant 0 : i32
    %c0_i32_1 = arith.constant 0 : i32
    return %c0_i32, %c0_i32_0 : i32, i32
  }
  func.func @transform_2(%arg0: i32) -> (i32, i32) {
    %c0_i32 = arith.constant 0 : i32
    %c0_i32_0 = arith.constant 0 : i32
    %c0_i32_1 = arith.constant 0 : i32
    return %c0_i32, %c0_i32_0 : i32, i32
  }
  func.func @transform_3(%arg0: i32) -> (i32, i32) {
    %c0_i32 = arith.constant 0 : i32
    %c0_i32_0 = arith.constant 0 : i32
    %c0_i32_1 = arith.constant 0 : i32
    return %c0_i32, %c0_i32_0 : i32, i32
  }
  func.func @transform_4(%arg0: i32) -> (i32, i32) {
    %c0_i32 = arith.constant 0 : i32
    %c0_i32_0 = arith.constant 0 : i32
    return %arg0, %c0_i32 : i32, i32
  }
}

</mosaic_0001>

<sc_bundles>
// kernel: kernel.4.cloned.1.call-start
scs
__scs_entry_jumppad:
0x0: {  	(pc) =	sbr.rel $0x88, $3  }
0x1: {  	(tag) =	ssettag $0x0;
	lr =	simm.s32 $0x1  }
0x2: {  	[smem:$0x3F9D] =	sst lr;
	_ =	strace $0xD0000000  }
0x3: {  	_ = 	snop  }
0x4: {  	_ = 	snop  }
0x5: {  	_ = 	snop  }
0x6: {  	_ = 	snop  }
0x7: {  	_ = 	snop  }
__scs_overlays_trampoline_lowered:
0x8: {  	[smem:$0x3FAC] =	sst s0  }
0x9: {  	[smem:$0x3FAD] =	sst s1  }
0xa: {  	[smem:$0x3FAE] =	sst s2  }
0xb: {  	[smem:$0x3FAF] =	sst s3  }
0xc: {  	[smem:$0x3FB0] =	sst s4  }
0xd: {  	[smem:$0x3FB1] =	sst s5  }
0xe: {  	[smem:$0x3FB2] =	sst s6  }
0xf: {  	[smem:$0x3FB3] =	sst s7  }
0x10: {  	[smem:$0x3FB4] =	sst s8  }
0x11: {  	[smem:$0x3FB5] =	sst s9;
	s0 =	simm.s32 @!p0 $0x0  }
0x12: {  	s1 =	sld [smem:$0x3F9B];
	s0 =	simm.s32 @p0 $0x1  }
0x13: {  	[smem:$0x3FB6] =	sst s0;
	s0 =	simm.s32 @!p1 $0x0  }
0x14: {  	s2 =	sld [smem:$0x3F9A];
	s0 =	simm.s32 @p1 $0x1  }
0x15: {  	[smem:$0x3FB7] =	sst s0;
	s0 =	simm.s32 @!p2 $0x0  }
0x16: {  	s3 =	sld [smem:$0x3FDB];
	s0 =	simm.s32 @p2 $0x1  }
0x17: {  	s4 =	simm.s32 $0x1BF5;
	[smem:$0x3FB9] =	sst s0  }
0x18: {  	s0 =	sld [smem:$0x3F9C];
	_ =	swait.ge [sflag:s4], $0x0  }
0x19: {  	s7 =	sld [smem:$0x3F9D]  }
0x1a: {  	s8 =	sadd.s32 $0xFFFFE003, lr  }
0x1b: {  	s9 =	sadd.s32 $0xFFFFFEF7, lr;
	s5 =	simm.s32 $0xFFFFFFFF;
	p2 =	slt.u32 s8, $0xFFFFF086  }
0x1c: {  	p1 =	slt.u32 s9, $0xF7A;
	s5 =	simm.s32 @!p2 $0x0  }
0x1d: {  	s5 =	simm.s32 @p1 $0x1;
	p0 =	seq.s32 s7, s2  }
0x1e: {  	s7 =	smul.u32 @!p0 $0xF7A, s2;
	p2 =	seq.s32 @!p0 s5, $0x0  }
0x1f: {  	s9 =	smul.u32 $0xF7A, s1;
	s8 =	simm.s32 @!p0 $0x1BF5;
	p2 =	por !p2, p0  }
0x20: {  	[sflag:s8] =	ssyncset.s32 @!p0 $0xFFFFF086;
	s6 =	sadd.s32 @!p0 s3, s7;
	s7 =	simm.s32 @!p0 $0x108  }
0x21: {  	s3 =	sadd.s32 s3, s9;
	s6 =	sadd.s32 @!p0 $0x88, s6;
	s7 =	simm.s32 @p2 $0x1082  }
0x22: {  	[simem:s7], [sflag:s8] =	dma.local @!p0 [hbm:s6], $0xF7A  }
0x23: {  	s9 =	sor.u32 $0xD0000000, s2;
	s6 =	simm.s32 $0x108;
	_ =	swait.ge @!p0 [sflag:s8], $0x0  }
0x24: {  	s3 =	sadd.s32 $0x88, s3;
	s6 =	simm.s32 @!p1 $0x1082;
	[sflag:s4] =	ssyncset.s32 $0xFFFFF086  }
0x25: {  	[simem:s6], [sflag:s4] =	dma.local [hbm:s3], $0xF7A  }
0x26: {  	[smem:$0x3F9D] =	sst s1;
	(tag) =	ssettag s2;
	_ =	strace s9  }
0x27: {  	s1 =	sld [smem:$0x3FAD]  }
0x28: {  	s2 =	sld [smem:$0x3FAE]  }
0x29: {  	s4 =	sld [smem:$0x3FB0]  }
0x2a: {  	p0 =	seq.s32 s5, $0x0;
	s5 =	sld [smem:$0x3FB1]  }
0x2b: {  	s6 =	sld [smem:$0x3FB2]  }
0x2c: {  	s7 =	sld [smem:$0x3FB3]  }
0x2d: {  	s3 =	simm.s32 $0x108;
	s8 =	sld [smem:$0x3FB4]  }
0x2e: {  	s3 =	simm.s32 @!p0 $0x1082;
	s9 =	sld [smem:$0x3FB5]  }
0x2f: {  	lr =	sadd.s32 s0, s3;
	s0 =	sld [smem:$0x3FAC]  }
0x30: {  	s3 =	sld [smem:$0x3FAF]  }
0x31: {  	[smem:$0x3FB8] =	sst s10  }
0x32: {  	s10 =	sld [smem:$0x3FB6];
	_ =	sdelay $0x3  }
0x33: {  	p0 =	seq.s32 s10, $0x1;
	s10 =	sld [smem:$0x3FB8];
	_ =	sdelay $0x3  }
0x34: {  	[smem:$0x3FB8] =	sst s10  }
0x35: {  	s10 =	sld [smem:$0x3FB7];
	_ =	sdelay $0x3  }
0x36: {  	p1 =	seq.s32 s10, $0x1;
	s10 =	sld [smem:$0x3FB8];
	_ =	sdelay $0x3  }
0x37: {  	[smem:$0x3FB8] =	sst s10  }
0x38: {  	s10 =	sld [smem:$0x3FB9]  }
0x39: {  	_ = 	snop;
	(pc) =	sbr.ind lr, $3  }
0x3a: {  	_ = 	snop  }
0x3b: {  	_ = 	snop  }
0x3c: {  	p2 =	seq.s32 s10, $0x1;
	s10 =	sld [smem:$0x3FB8]  }
0x3d: {  	_ =	shalt  }
0x3e: {  	_ =	shalt  }
0x3f: {  	_ =	shalt  }
0x40: {  	_ =	shalt  }
0x41: {  	_ =	shalt  }
0x42: {  	_ =	shalt  }
0x43: {  	_ =	shalt  }
0x44: {  	_ =	shalt  }
0x45: {  	_ =	shalt  }
0x46: {  	_ =	shalt  }
0x47: {  	_ =	shalt  }
0x48: {  	_ =	shalt  }
0x49: {  	_ =	shalt  }
0x4a: {  	_ =	shalt  }
0x4b: {  	_ =	shalt  }
0x4c: {  	_ =	shalt  }
0x4d: {  	_ =	shalt  }
0x4e: {  	_ =	shalt  }
0x4f: {  	_ =	shalt  }
0x50: {  	_ =	shalt  }
0x51: {  	_ =	shalt  }
0x52: {  	_ =	shalt  }
0x53: {  	_ =	shalt  }
0x54: {  	_ =	shalt  }
0x55: {  	_ =	shalt  }
0x56: {  	_ =	shalt  }
0x57: {  	_ =	shalt  }
0x58: {  	_ =	shalt  }
0x59: {  	_ =	shalt  }
0x5a: {  	_ =	shalt  }
0x5b: {  	_ =	shalt  }
0x5c: {  	_ =	shalt  }
0x5d: {  	_ =	shalt  }
0x5e: {  	_ =	shalt  }
0x5f: {  	_ =	shalt  }
0x60: {  	_ =	shalt  }
0x61: {  	_ =	shalt  }
0x62: {  	_ =	shalt  }
0x63: {  	_ =	shalt  }
0x64: {  	_ =	shalt  }
0x65: {  	_ =	shalt  }
0x66: {  	_ =	shalt  }
0x67: {  	_ =	shalt  }
0x68: {  	_ =	shalt  }
0x69: {  	_ =	shalt  }
0x6a: {  	_ =	shalt  }
0x6b: {  	_ =	shalt  }
0x6c: {  	_ =	shalt  }
0x6d: {  	_ =	shalt  }
0x6e: {  	_ =	shalt  }
0x6f: {  	_ =	shalt  }
0x70: {  	_ =	shalt  }
0x71: {  	_ =	shalt  }
0x72: {  	_ =	shalt  }
0x73: {  	_ =	shalt  }
0x74: {  	_ =	shalt  }
0x75: {  	_ =	shalt  }
0x76: {  	_ =	shalt  }
0x77: {  	_ =	shalt  }
0x78: {  	_ =	shalt  }
0x79: {  	_ =	shalt  }
0x7a: {  	_ =	shalt  }
0x7b: {  	_ =	shalt  }
0x7c: {  	_ =	shalt  }
0x7d: {  	_ =	shalt  }
0x7e: {  	_ =	shalt  }
0x7f: {  	_ =	shalt  }
0x80: {  	_ =	shalt  }
0x81: {  	_ =	shalt  }
0x82: {  	_ =	shalt  }
0x83: {  	_ =	shalt  }
0x84: {  	_ =	shalt  }
0x85: {  	_ =	shalt  }
0x86: {  	_ =	shalt  }
0x87: {  	_ =	shalt  }
.Lfunc_end0:
.L_simem_size_0:
called_computation_lowered:
.L_overlay_start_0:
0x88: {  	s2 =	sld [smem:$0x3FD9]  }
0x89: {  	s3 =	sld [smem:$0x3FFE];
	_ =	sdelay $0x1  }
0x8a: {  	s1 =	srdreg.scid  }
0x8b: {  	s0 =	sand.u32 $0x1, s1  }
0x8c: {  	s15 =	sshll.u32 s0, $0xA;
	s2 =	sadd.s32 s3, s2  }
0x8d: {  	s2 =	sadd.s32 s2, s15  }
0x8e: {  	[smem:$0x3FC4] =	sst s2  }
0x8f: {  	_ = 	snop  }
0x90: {  	s2 =	sld [smem:$0x3FD0];
	_ =	sdelay $0x2  }
0x91: {  	s4 =	simm.s32 $0xA;
	s5 =	simm.s32 $0x10;
	s16 =	sld [smem:$0x3FC8]  }
0x92: {  	[smem:s5], [sflag:s4] =	dma.local [hbm:s2], $0x1  }
0x93: {  	_ =	swait.eq [sflag:s4], $0x1  }
0x94: {  	[sflag:s4] =	ssyncset.done $0x0  }
0x95: {  	s17 =	sld [smem:$0x10];
	[sflag:s4] =	ssyncadd.s32 $0xFFFFFFFF  }
0x96: {  	s18 =	sld [smem:$0x11];
	(tm) =	ssettm $0x1  }
0x97: {  	s19 =	sld [smem:$0x3FFB];
	_ =	sdelay $0x3  }
0x98: {  	_ =	strace s19  }
0x99: {  	s5 =	sld [smem:$0x3FFC];
	_ =	sdelay $0x3  }
0x9a: {  	_ =	strace s5  }
0x9b: {  	s5 =	sld [smem:$0x3FFD];
	_ =	sdelay $0x3  }
0x9c: {  	_ =	strace s5  }
0x9d: {  	_ =	strace $0x8FFFFFFF  }
0x9e: {  	s20 =	sld [smem:$0x3FDB];
	_ =	sdelay $0x1  }
0x9f: {  	s6 =	simm.s32 $_scs_section_size  }
0xa0: {  	s7 =	simm.s32 $_size__tile_overlayer_lowered;
	s8 =	simm.s32 $_tile_overlayer_lowered  }
0xa1: {  	s23 =	simm.s32 $0x1BFF;
	s22 =	sshll.u32 s8, $0x1;
	s5 =	sadd.s32 s6, s20  }
0xa2: {  	s9 =	simm.s32 $0x0;
	s21 =	sshll.u32 s7, $0x1;
	s7 =	sadd.s32 s22, s5  }
0xa3: {  	[timem:s9], [sflag:s23] =	dma.local [hbm:s7], s21  }
0xa4: {  	_ =	swait.ge [sflag:s23], s21  }
0xa5: {  	s6 =	ssub.s32 $0x0, s21;
	[sflag:s23] =	ssyncset.done $0x0  }
0xa6: {  	[sflag:s23] =	ssyncadd.s32 s6;
	_ =	sdelay $0x1  }
0xa7: {  	s24 =	simm.s32 $0x1B8B  }
0xa8: {  	_ =	swait.ge [sflag:s24], $0x1  }
0xa9: {  	[sflag:s24] =	ssyncset.done $0x0  }
0xaa: {  	s25 =	simm.s32 $0x1B8E;
	[sflag:s24] =	ssyncadd.s32 $0xFFFFFFFF  }
0xab: {  	s26 =	simm.s32 $execute0_lowered;
	[smem:$0x3FD2] =	sst s25  }
0xac: {  	s6 =	sshll.u32 s26, $0x1;
	_ =	strace $0x80000046;
	[dreg:$0x1] =	wrdreg $0xFFFFFFFF  }
0xad: {  	s28 =	simm.s32 $_size_execute0_lowered;
	s5 =	sadd.s32 s5, s6;
	[dreg:$0x0] =	wrdreg $0x0  }
0xae: {  	s6 =	sshll.u32 s28, $0x1;
	[dreg:$0x2] =	wrdreg s5  }
0xaf: {  	[dreg:$0x3] =	wrdreg s6  }
0xb0: {  	[dreg:$0x4] =	wrdreg $0xC0  }
0xb1: {  	_ =	task [dreg:s9], $0x5FFFF  }
0xb2: {  	[dreg:$0x1] =	wrdreg $0xFFFFFFFF  }
0xb3: {  	[dreg:$0x0] =	wrdreg $0x60  }
0xb4: {  	[dreg:$0x2] =	wrdreg s16  }
0xb5: {  	[dreg:$0x3] =	wrdreg s18  }
0xb6: {  	[dreg:$0x4] =	wrdreg s17  }
0xb7: {  	[dreg:$0x5] =	wrdreg $0x9  }
0xb8: {  	_ =	task.clear_ibuf [dreg:s9], $0x6FFFF;
	_ =	strace $0x90000046  }
0xb9: {  	s29 =	simm.s32 $0x9;
	_ =	strace $0x80000048  }
0xba: {  	_ =	swait.ge [sflag:s29], $0x1  }
0xbb: {  	[sflag:s29] =	ssyncadd.s32 $0xFFFFFFFF  }
0xbc: {  	_ =	strace $0x90000048  }
0xbd: {  	_ =	sfence  }
0xbe: {  	s30 =	sld [smem:$0x0];
	_ =	sdelay $0x2  }
0xbf: {  	s31 =	sshll.u32 s1, $0xD;
	s1 =	sshrl.u32 s1, $0x2  }
0xc0: {  	s3 =	sand.u32 $0x4000, s31;
	s1 =	sadd.s32 s1, s30  }
0xc1: {  	s0 =	sor.u32 s3, s0;
	s1 =	sshll.u32 s1, $0x11  }
0xc2: {  	s0 =	sor.u32 s1, s0  }
0xc3: {  	s0 =	sadd.s32 $0x8F2B, s0  }
0xc4: {  	[sflag:s0] =	ssyncadd.remote.s32 $0x1  }
0xc5: {  	_ =	sfence.sel $0xFFFF  }
0xc6: {  	[dreg:$0x0] =	wrdreg $0xFFFFFFFF;
	(pc) =	sbr.abs _section_cstart, $3  }
0xc7: {  	[dreg:$0x1] =	wrdreg $0xFFFFFFFF  }
0xc8: {  	_ =	task.clear_ibuf [dreg:s9], $0x2FFFF;
	_ =	strace $0x9FFFFFFF  }
0xc9: {  	(tm) =	ssettm $0x7FFFFFFF  }
tec
execute0_lowered:
.L_overlay_start_1:
0x0: {  	(tag) =	ssettag $0x1  }
0x1: {  	s9 =	rddreg [dreg:$0x0]  }
0x2: {  	s1 =	rddreg [dreg:$0x1]  }
0x3: {  	s13 =	rddreg [dreg:$0x2]  }
0x4: {  	s0 =	rddreg [dreg:$0x3];
	s3 =	simm.s32 $0x0  }
0x5: {  	s4 =	srdreg.scid;
	s2 =	stileid.u32;
	s19 =	simm.s32 $0x2  }
0x6: {  	s20 =	simm.s32 $0x1D700;
	s21 =	simm.s32 $0x1EB00;
	[smem:$0x7FF] =	sst s3  }
0x7: {  	s4 =	sand.u32 $0x1, s4;
	s5 =	sshll.u32 s2, $0x9;
	s6 =	sshrl.u32 s2, $0x1  }
0x8: {  	s7 =	sshll.u32 s4, $0x8;
	s5 =	sand.u32 $0x200, s5;
	s8 =	smul.u32 $0xC3800, s6  }
0x9: {  	s4 =	ssub.s32 $0x2, s4;
	s11 =	smul.u32 $0x28000, s6;
	s10 =	sor.u32 s7, s5  }
0xa: {  	_ =	strace $0x80000047;
	s22 =	sshrl.u32 s4, $0x1;
	s23 =	sor.u32 s8, s10  }
0xb: {  	s14 =	ssub.s32 s4, s22;
	s12 =	sadd.s32 $0xA000, s11;
	s25 =	sor.u32 s11, s10  }
0xc: {  	s15 =	sadd.s32 $0x14000, s11;
	s16 =	sadd.s32 $0x1E000, s11;
	s17 =	sor.u32 $0x80, s10  }
0xd: {  	s22 =	simm.s32 $0x3;
	s24 =	sshrl.u32 s23, $0x3;
	s26 =	sor.u32 s10, s12  }
0xe: {  	s5 =	sshrl.u32 s25, $0x3;
	s7 =	sor.u32 s10, s15;
	s10 =	sor.u32 s10, s16  }
0xf: {  	s8 =	sor.u32 s8, s17;
	s11 =	sor.u32 s11, s17;
	s29 =	sor.u32 s12, s17  }
0x10: {  	s30 =	sor.u32 s15, s17;
	s31 =	sor.u32 s16, s17;
	s14 =	smax.u32 s14, $0x1  }
0x11: {  	s16 =	simm.s32 $0x400;
	s17 =	simm.s32 $0x5000;
	s23 =	simm.s32 $0x4  }
0x12: {  	s4 =	sadd.s32 s9, s24;
	s6 =	sshrl.u32 s26, $0x3;
	s5 =	sadd.s32 s13, s5  }
0x13: {  	s7 =	sshrl.u32 s7, $0x3;
	s10 =	sshrl.u32 s10, $0x3;
	s18 =	sshrl.u32 s8, $0x3  }
0x14: {  	s28 =	sshrl.u32 s11, $0x3;
	s11 =	sshrl.u32 s29, $0x3;
	s12 =	sshrl.u32 s30, $0x3  }
0x15: {  	s15 =	sshrl.u32 s31, $0x3;
	s24 =	simm.s32 $0x0;
	s6 =	sadd.s32 s13, s6  }
0x16: {  	s7 =	sadd.s32 s13, s7;
	s8 =	sadd.s32 s13, s10;
	s9 =	sadd.s32 s9, s18  }
0x17: {  	s10 =	sadd.s32 s13, s28;
	s11 =	sadd.s32 s13, s11;
	s12 =	sadd.s32 s13, s12  }
0x18: {  	s13 =	sadd.s32 s13, s15;
	s15 =	simm.s32 $0x80;
	s18 =	simm.s32 $0x1  }
.LBB2_1:
0x19: {  	[tilespmem:s3], [sflag:$0x1] =	stream.linear.gather [hbm4b:s1+s3], $0x5000, $0x38;
	[tilespmem:$0x1FF00] =	vst v63  }
0x1a: {  	_ = 	snop  }
0x1b: {  	[tilespmem:s17], [sflag:$0x2] =	stream.strided.gather [hbm4b:s4+s15], $0x18700, s16, s15, $0x38;
	[tilespmem:$0x1FF00] =	vst v63  }
0x1c: {  	_ =	swait.ge [sflag:s18], $0x5000  }
0x1d: {  	[sflag:s18] =	ssyncset.done $0x0  }
0x1e: {  	[sflag:s18] =	ssyncadd.s32 $0xFFFFB000  }
0x1f: {  	_ =	swait.ge [sflag:s19], $0x18700  }
0x20: {  	s25 =	simm.s32 $0xFFFFFFF8;
	[sflag:s19] =	ssyncset.done $0x0  }
0x21: {  	s26 =	simm.s32 $0x40;
	s28 =	simm.s32 $0x1D740;
	[sflag:s19] =	ssyncadd.s32 $0xFFFE7900  }
.LBB2_2:
0x22: {  	v0 =	vld [tilespmem:s26+$0xFFFFFFC0];
	_ =	sdelay $0x7  }
0x23: {  	v0 =	vld.idx.msk [tilespmem:v0+s17+$0x0], $0xffff;
	_ =	sdelay $0x4  }
0x24: {  	[tilespmem:s28+$0xFFFFFFC0] =	vst v0  }
0x25: {  	v0 =	vld [tilespmem:s26+$0xFFFFFFD0];
	_ =	sdelay $0x7  }
0x26: {  	v0 =	vld.idx.msk [tilespmem:v0+s17+$0x0], $0xffff;
	_ =	sdelay $0x4  }
0x27: {  	[tilespmem:s28+$0xFFFFFFD0] =	vst v0  }
0x28: {  	v0 =	vld [tilespmem:s26+$0xFFFFFFE0];
	_ =	sdelay $0x7  }
0x29: {  	v0 =	vld.idx.msk [tilespmem:v0+s17+$0x0], $0xffff;
	_ =	sdelay $0x4  }
0x2a: {  	[tilespmem:s28+$0xFFFFFFE0] =	vst v0  }
0x2b: {  	v0 =	vld [tilespmem:s26+$0xFFFFFFF0];
	_ =	sdelay $0x7  }
0x2c: {  	v0 =	vld.idx.msk [tilespmem:v0+s17+$0x0], $0xffff;
	_ =	sdelay $0x4  }
0x2d: {  	[tilespmem:s28+$0xFFFFFFF0] =	vst v0  }
0x2e: {  	v0 =	vld [tilespmem:s26+$0x0];
	_ =	sdelay $0x7  }
0x2f: {  	v0 =	vld.idx.msk [tilespmem:v0+s17+$0x0], $0xffff;
	_ =	sdelay $0x4  }
0x30: {  	[tilespmem:s28+$0x0] =	vst v0  }
0x31: {  	v0 =	vld [tilespmem:s26+$0x10];
	_ =	sdelay $0x7  }
0x32: {  	v0 =	vld.idx.msk [tilespmem:v0+s17+$0x0], $0xffff;
	_ =	sdelay $0x4  }
0x33: {  	[tilespmem:s28+$0x10] =	vst v0  }
0x34: {  	v0 =	vld [tilespmem:s26+$0x20];
	_ =	sdelay $0x7  }
0x35: {  	v0 =	vld.idx.msk [tilespmem:v0+s17+$0x0], $0xffff;
	_ =	sdelay $0x4  }
0x36: {  	[tilespmem:s28+$0x20] =	vst v0  }
0x37: {  	v0 =	vld [tilespmem:s26+$0x30];
	_ =	sdelay $0x6  }
0x38: {  	s25 =	sadd.s32 $0x8, s25  }
0x39: {  	p0 =	slt.u32 s25, $0x138;
	v0 =	vld.idx.msk [tilespmem:v0+s17+$0x0], $0xffff  }
.Ltmp0:
0x3a: {  	_ = 	snop;
	(pc) =	sbr.rel @p0 .LBB2_2-.Ltmp0, $2  }
0x3b: {  	_ =	sdelay $0x2  }
0x3c: {  	s26 =	sadd.s32 $0x80, s26;
	[tilespmem:s28+$0x30] =	vst v0;
	s28 =	sadd.s32 $0x80, s28  }
0x3d: {  	[hbm4b:s5+s15] =	stream.strided.scatter [tilespmem:s20], [sflag:$0x3], $0x1400, s16, s15, $0x38;
	[tilespmem:$0x1FF00] =	vst v63  }
0x3e: {  	s25 =	simm.s32 $0xFFFFFFF8;
	s26 =	simm.s32 $0x1470;
	s28 =	simm.s32 $0x1EB40  }
.LBB2_4:
0x3f: {  	v0 =	vld [tilespmem:s26+$0xFFFFFF90];
	_ =	sdelay $0x7  }
0x40: {  	v0 =	vld.idx.msk [tilespmem:v0+s17+$0x0], $0xffff;
	_ =	sdelay $0x4  }
0x41: {  	[tilespmem:s28+$0xFFFFFFC0] =	vst v0  }
0x42: {  	v0 =	vld [tilespmem:s26+$0xFFFFFFA0];
	_ =	sdelay $0x7  }
0x43: {  	v0 =	vld.idx.msk [tilespmem:v0+s17+$0x0], $0xffff;
	_ =	sdelay $0x4  }
0x44: {  	[tilespmem:s28+$0xFFFFFFD0] =	vst v0  }
0x45: {  	v0 =	vld [tilespmem:s26+$0xFFFFFFB0];
	_ =	sdelay $0x7  }
0x46: {  	v0 =	vld.idx.msk [tilespmem:v0+s17+$0x0], $0xffff;
	_ =	sdelay $0x4  }
0x47: {  	[tilespmem:s28+$0xFFFFFFE0] =	vst v0  }
0x48: {  	v0 =	vld [tilespmem:s26+$0xFFFFFFC0];
	_ =	sdelay $0x7  }
0x49: {  	v0 =	vld.idx.msk [tilespmem:v0+s17+$0x0], $0xffff;
	_ =	sdelay $0x4  }
0x4a: {  	[tilespmem:s28+$0xFFFFFFF0] =	vst v0  }
0x4b: {  	v0 =	vld [tilespmem:s26+$0xFFFFFFD0];
	_ =	sdelay $0x7  }
0x4c: {  	v0 =	vld.idx.msk [tilespmem:v0+s17+$0x0], $0xffff;
	_ =	sdelay $0x4  }
0x4d: {  	[tilespmem:s28+$0x0] =	vst v0  }
0x4e: {  	v0 =	vld [tilespmem:s26+$0xFFFFFFE0];
	_ =	sdelay $0x7  }
0x4f: {  	v0 =	vld.idx.msk [tilespmem:v0+s17+$0x0], $0xffff;
	_ =	sdelay $0x4  }
0x50: {  	[tilespmem:s28+$0x10] =	vst v0  }
0x51: {  	v0 =	vld [tilespmem:s26+$0xFFFFFFF0];
	_ =	sdelay $0x7  }
0x52: {  	v0 =	vld.idx.msk [tilespmem:v0+s17+$0x0], $0xffff;
	_ =	sdelay $0x4  }
0x53: {  	[tilespmem:s28+$0x20] =	vst v0  }
0x54: {  	v0 =	vld [tilespmem:s26+$0x0];
	_ =	sdelay $0x6  }
0x55: {  	s25 =	sadd.s32 $0x8, s25  }
0x56: {  	p0 =	slt.u32 s25, $0x138;
	v0 =	vld.idx.msk [tilespmem:v0+s17+$0x0], $0xffff  }
.Ltmp1:
0x57: {  	_ = 	snop;
	(pc) =	sbr.rel @p0 .LBB2_4-.Ltmp1, $2  }
0x58: {  	_ =	sdelay $0x2  }
0x59: {  	s26 =	sadd.s32 $0x80, s26;
	[tilespmem:s28+$0x30] =	vst v0;
	s28 =	sadd.s32 $0x80, s28  }
0x5a: {  	[hbm4b:s6+s15] =	stream.strided.scatter [tilespmem:s21], [sflag:$0x4], $0x1400, s16, s15, $0x38;
	[tilespmem:$0x1FF00] =	vst v63  }
0x5b: {  	_ =	swait.ge [sflag:s22], $0x1400  }
0x5c: {  	s25 =	simm.s32 $0xFFFFFFF8;
	[sflag:s22] =	ssyncset.done $0x0  }
0x5d: {  	s26 =	simm.s32 $0x2870;
	s28 =	simm.s32 $0x1D740;
	[sflag:s22] =	ssyncadd.s32 $0xFFFFEC00  }
.LBB2_6:
0x5e: {  	v0 =	vld [tilespmem:s26+$0xFFFFFF90];
	_ =	sdelay $0x7  }
0x5f: {  	v0 =	vld.idx.msk [tilespmem:v0+s17+$0x0], $0xffff;
	_ =	sdelay $0x4  }
0x60: {  	[tilespmem:s28+$0xFFFFFFC0] =	vst v0  }
0x61: {  	v0 =	vld [tilespmem:s26+$0xFFFFFFA0];
	_ =	sdelay $0x7  }
0x62: {  	v0 =	vld.idx.msk [tilespmem:v0+s17+$0x0], $0xffff;
	_ =	sdelay $0x4  }
0x63: {  	[tilespmem:s28+$0xFFFFFFD0] =	vst v0  }
0x64: {  	v0 =	vld [tilespmem:s26+$0xFFFFFFB0];
	_ =	sdelay $0x7  }
0x65: {  	v0 =	vld.idx.msk [tilespmem:v0+s17+$0x0], $0xffff;
	_ =	sdelay $0x4  }
0x66: {  	[tilespmem:s28+$0xFFFFFFE0] =	vst v0  }
0x67: {  	v0 =	vld [tilespmem:s26+$0xFFFFFFC0];
	_ =	sdelay $0x7  }
0x68: {  	v0 =	vld.idx.msk [tilespmem:v0+s17+$0x0], $0xffff;
	_ =	sdelay $0x4  }
0x69: {  	[tilespmem:s28+$0xFFFFFFF0] =	vst v0  }
0x6a: {  	v0 =	vld [tilespmem:s26+$0xFFFFFFD0];
	_ =	sdelay $0x7  }
0x6b: {  	v0 =	vld.idx.msk [tilespmem:v0+s17+$0x0], $0xffff;
	_ =	sdelay $0x4  }
0x6c: {  	[tilespmem:s28+$0x0] =	vst v0  }
0x6d: {  	v0 =	vld [tilespmem:s26+$0xFFFFFFE0];
	_ =	sdelay $0x7  }
0x6e: {  	v0 =	vld.idx.msk [tilespmem:v0+s17+$0x0], $0xffff;
	_ =	sdelay $0x4  }
0x6f: {  	[tilespmem:s28+$0x10] =	vst v0  }
0x70: {  	v0 =	vld [tilespmem:s26+$0xFFFFFFF0];
	_ =	sdelay $0x7  }
0x71: {  	v0 =	vld.idx.msk [tilespmem:v0+s17+$0x0], $0xffff;
	_ =	sdelay $0x4  }
0x72: {  	[tilespmem:s28+$0x20] =	vst v0  }
0x73: {  	v0 =	vld [tilespmem:s26+$0x0];
	_ =	sdelay $0x6  }
0x74: {  	s25 =	sadd.s32 $0x8, s25  }
0x75: {  	p0 =	slt.u32 s25, $0x138;
	v0 =	vld.idx.msk [tilespmem:v0+s17+$0x0], $0xffff  }
.Ltmp2:
0x76: {  	_ = 	snop;
	(pc) =	sbr.rel @p0 .LBB2_6-.Ltmp2, $2  }
0x77: {  	_ =	sdelay $0x2  }
0x78: {  	s26 =	sadd.s32 $0x80, s26;
	[tilespmem:s28+$0x30] =	vst v0;
	s28 =	sadd.s32 $0x80, s28  }
0x79: {  	[hbm4b:s7+s15] =	stream.strided.scatter [tilespmem:s20], [sflag:$0x3], $0x1400, s16, s15, $0x38;
	[tilespmem:$0x1FF00] =	vst v63  }
0x7a: {  	_ =	swait.ge [sflag:s23], $0x1400  }
0x7b: {  	s25 =	simm.s32 $0xFFFFFFF8;
	[sflag:s23] =	ssyncset.done $0x0  }
0x7c: {  	s26 =	simm.s32 $0x3C70;
	s28 =	simm.s32 $0x1EB40;
	[sflag:s23] =	ssyncadd.s32 $0xFFFFEC00  }
.LBB2_8:
0x7d: {  	v0 =	vld [tilespmem:s26+$0xFFFFFF90];
	_ =	sdelay $0x7  }
0x7e: {  	v0 =	vld.idx.msk [tilespmem:v0+s17+$0x0], $0xffff;
	_ =	sdelay $0x4  }
0x7f: {  	[tilespmem:s28+$0xFFFFFFC0] =	vst v0  }
0x80: {  	v0 =	vld [tilespmem:s26+$0xFFFFFFA0];
	_ =	sdelay $0x7  }
0x81: {  	v0 =	vld.idx.msk [tilespmem:v0+s17+$0x0], $0xffff;
	_ =	sdelay $0x4  }
0x82: {  	[tilespmem:s28+$0xFFFFFFD0] =	vst v0  }
0x83: {  	v0 =	vld [tilespmem:s26+$0xFFFFFFB0];
	_ =	sdelay $0x7  }
0x84: {  	v0 =	vld.idx.msk [tilespmem:v0+s17+$0x0], $0xffff;
	_ =	sdelay $0x4  }
0x85: {  	[tilespmem:s28+$0xFFFFFFE0] =	vst v0  }
0x86: {  	v0 =	vld [tilespmem:s26+$0xFFFFFFC0];
	_ =	sdelay $0x7  }
0x87: {  	v0 =	vld.idx.msk [tilespmem:v0+s17+$0x0], $0xffff;
	_ =	sdelay $0x4  }
0x88: {  	[tilespmem:s28+$0xFFFFFFF0] =	vst v0  }
0x89: {  	v0 =	vld [tilespmem:s26+$0xFFFFFFD0];
	_ =	sdelay $0x7  }
0x8a: {  	v0 =	vld.idx.msk [tilespmem:v0+s17+$0x0], $0xffff;
	_ =	sdelay $0x4  }
0x8b: {  	[tilespmem:s28+$0x0] =	vst v0  }
0x8c: {  	v0 =	vld [tilespmem:s26+$0xFFFFFFE0];
	_ =	sdelay $0x7  }
0x8d: {  	v0 =	vld.idx.msk [tilespmem:v0+s17+$0x0], $0xffff;
	_ =	sdelay $0x4  }
0x8e: {  	[tilespmem:s28+$0x10] =	vst v0  }
0x8f: {  	v0 =	vld [tilespmem:s26+$0xFFFFFFF0];
	_ =	sdelay $0x7  }
0x90: {  	v0 =	vld.idx.msk [tilespmem:v0+s17+$0x0], $0xffff;
	_ =	sdelay $0x4  }
0x91: {  	[tilespmem:s28+$0x20] =	vst v0  }
0x92: {  	v0 =	vld [tilespmem:s26+$0x0];
	_ =	sdelay $0x6  }
0x93: {  	s25 =	sadd.s32 $0x8, s25  }
0x94: {  	p0 =	slt.u32 s25, $0x138;
	v0 =	vld.idx.msk [tilespmem:v0+s17+$0x0], $0xffff  }
.Ltmp3:
0x95: {  	_ = 	snop;
	(pc) =	sbr.rel @p0 .LBB2_8-.Ltmp3, $2  }
0x96: {  	_ =	sdelay $0x2  }
0x97: {  	s26 =	sadd.s32 $0x80, s26;
	[tilespmem:s28+$0x30] =	vst v0;
	s28 =	sadd.s32 $0x80, s28  }
0x98: {  	[hbm4b:s8+s15] =	stream.strided.scatter [tilespmem:s21], [sflag:$0x4], $0x1400, s16, s15, $0x38;
	[tilespmem:$0x1FF00] =	vst v63  }
0x99: {  	_ = 	snop  }
0x9a: {  	[tilespmem:s17], [sflag:$0x2] =	stream.strided.gather [hbm4b:s9+s15], $0x18700, s16, s15, $0x38;
	[tilespmem:$0x1FF00] =	vst v63  }
0x9b: {  	_ =	swait.ge [sflag:s19], $0x18700  }
0x9c: {  	[sflag:s19] =	ssyncset.done $0x0  }
0x9d: {  	[sflag:s19] =	ssyncadd.s32 $0xFFFE7900  }
0x9e: {  	_ =	swait.ge [sflag:s22], $0x1400  }
0x9f: {  	s25 =	simm.s32 $0xFFFFFFF8;
	[sflag:s22] =	ssyncset.done $0x0  }
0xa0: {  	s26 =	simm.s32 $0x40;
	s28 =	simm.s32 $0x1D740;
	[sflag:s22] =	ssyncadd.s32 $0xFFFFEC00  }
.LBB2_10:
0xa1: {  	v0 =	vld [tilespmem:s26+$0xFFFFFFC0];
	_ =	sdelay $0x7  }
0xa2: {  	v0 =	vld.idx.msk [tilespmem:v0+s17+$0x0], $0xffff;
	_ =	sdelay $0x4  }
0xa3: {  	[tilespmem:s28+$0xFFFFFFC0] =	vst v0  }
0xa4: {  	v0 =	vld [tilespmem:s26+$0xFFFFFFD0];
	_ =	sdelay $0x7  }
0xa5: {  	v0 =	vld.idx.msk [tilespmem:v0+s17+$0x0], $0xffff;
	_ =	sdelay $0x4  }
0xa6: {  	[tilespmem:s28+$0xFFFFFFD0] =	vst v0  }
0xa7: {  	v0 =	vld [tilespmem:s26+$0xFFFFFFE0];
	_ =	sdelay $0x7  }
0xa8: {  	v0 =	vld.idx.msk [tilespmem:v0+s17+$0x0], $0xffff;
	_ =	sdelay $0x4  }
0xa9: {  	[tilespmem:s28+$0xFFFFFFE0] =	vst v0  }
0xaa: {  	v0 =	vld [tilespmem:s26+$0xFFFFFFF0];
	_ =	sdelay $0x7  }
0xab: {  	v0 =	vld.idx.msk [tilespmem:v0+s17+$0x0], $0xffff;
	_ =	sdelay $0x4  }
0xac: {  	[tilespmem:s28+$0xFFFFFFF0] =	vst v0  }
0xad: {  	v0 =	vld [tilespmem:s26+$0x0];
	_ =	sdelay $0x7  }
0xae: {  	v0 =	vld.idx.msk [tilespmem:v0+s17+$0x0], $0xffff;
	_ =	sdelay $0x4  }
0xaf: {  	[tilespmem:s28+$0x0] =	vst v0  }
0xb0: {  	v0 =	vld [tilespmem:s26+$0x10];
	_ =	sdelay $0x7  }
0xb1: {  	v0 =	vld.idx.msk [tilespmem:v0+s17+$0x0], $0xffff;
	_ =	sdelay $0x4  }
0xb2: {  	[tilespmem:s28+$0x10] =	vst v0  }
0xb3: {  	v0 =	vld [tilespmem:s26+$0x20];
	_ =	sdelay $0x7  }
0xb4: {  	v0 =	vld.idx.msk [tilespmem:v0+s17+$0x0], $0xffff;
	_ =	sdelay $0x4  }
0xb5: {  	[tilespmem:s28+$0x20] =	vst v0  }
0xb6: {  	v0 =	vld [tilespmem:s26+$0x30];
	_ =	sdelay $0x6  }
0xb7: {  	s25 =	sadd.s32 $0x8, s25  }
0xb8: {  	p0 =	slt.u32 s25, $0x138;
	v0 =	vld.idx.msk [tilespmem:v0+s17+$0x0], $0xffff  }
.Ltmp4:
0xb9: {  	_ = 	snop;
	(pc) =	sbr.rel @p0 .LBB2_10-.Ltmp4, $2  }
0xba: {  	_ =	sdelay $0x2  }
0xbb: {  	s26 =	sadd.s32 $0x80, s26;
	[tilespmem:s28+$0x30] =	vst v0;
	s28 =	sadd.s32 $0x80, s28  }
0xbc: {  	[hbm4b:s10+s15] =	stream.strided.scatter [tilespmem:s20], [sflag:$0x3], $0x1400, s16, s15, $0x38;
	[tilespmem:$0x1FF00] =	vst v63  }
0xbd: {  	_ =	swait.ge [sflag:s23], $0x1400  }
0xbe: {  	s25 =	simm.s32 $0xFFFFFFF8;
	[sflag:s23] =	ssyncset.done $0x0  }
0xbf: {  	s26 =	simm.s32 $0x1470;
	s28 =	simm.s32 $0x1EB40;
	[sflag:s23] =	ssyncadd.s32 $0xFFFFEC00  }
.LBB2_12:
0xc0: {  	v0 =	vld [tilespmem:s26+$0xFFFFFF90];
	_ =	sdelay $0x7  }
0xc1: {  	v0 =	vld.idx.msk [tilespmem:v0+s17+$0x0], $0xffff;
	_ =	sdelay $0x4  }
0xc2: {  	[tilespmem:s28+$0xFFFFFFC0] =	vst v0  }
0xc3: {  	v0 =	vld [tilespmem:s26+$0xFFFFFFA0];
	_ =	sdelay $0x7  }
0xc4: {  	v0 =	vld.idx.msk [tilespmem:v0+s17+$0x0], $0xffff;
	_ =	sdelay $0x4  }
0xc5: {  	[tilespmem:s28+$0xFFFFFFD0] =	vst v0  }
0xc6: {  	v0 =	vld [tilespmem:s26+$0xFFFFFFB0];
	_ =	sdelay $0x7  }
0xc7: {  	v0 =	vld.idx.msk [tilespmem:v0+s17+$0x0], $0xffff;
	_ =	sdelay $0x4  }
0xc8: {  	[tilespmem:s28+$0xFFFFFFE0] =	vst v0  }
0xc9: {  	v0 =	vld [tilespmem:s26+$0xFFFFFFC0];
	_ =	sdelay $0x7  }
0xca: {  	v0 =	vld.idx.msk [tilespmem:v0+s17+$0x0], $0xffff;
	_ =	sdelay $0x4  }
0xcb: {  	[tilespmem:s28+$0xFFFFFFF0] =	vst v0  }
0xcc: {  	v0 =	vld [tilespmem:s26+$0xFFFFFFD0];
	_ =	sdelay $0x7  }
0xcd: {  	v0 =	vld.idx.msk [tilespmem:v0+s17+$0x0], $0xffff;
	_ =	sdelay $0x4  }
0xce: {  	[tilespmem:s28+$0x0] =	vst v0  }
0xcf: {  	v0 =	vld [tilespmem:s26+$0xFFFFFFE0];
	_ =	sdelay $0x7  }
0xd0: {  	v0 =	vld.idx.msk [tilespmem:v0+s17+$0x0], $0xffff;
	_ =	sdelay $0x4  }
0xd1: {  	[tilespmem:s28+$0x10] =	vst v0  }
0xd2: {  	v0 =	vld [tilespmem:s26+$0xFFFFFFF0];
	_ =	sdelay $0x7  }
0xd3: {  	v0 =	vld.idx.msk [tilespmem:v0+s17+$0x0], $0xffff;
	_ =	sdelay $0x4  }
0xd4: {  	[tilespmem:s28+$0x20] =	vst v0  }
0xd5: {  	v0 =	vld [tilespmem:s26+$0x0];
	_ =	sdelay $0x6  }
0xd6: {  	s25 =	sadd.s32 $0x8, s25  }
0xd7: {  	p0 =	slt.u32 s25, $0x138;
	v0 =	vld.idx.msk [tilespmem:v0+s17+$0x0], $0xffff  }
.Ltmp5:
0xd8: {  	_ = 	snop;
	(pc) =	sbr.rel @p0 .LBB2_12-.Ltmp5, $2  }
0xd9: {  	_ =	sdelay $0x2  }
0xda: {  	s26 =	sadd.s32 $0x80, s26;
	[tilespmem:s28+$0x30] =	vst v0;
	s28 =	sadd.s32 $0x80, s28  }
0xdb: {  	[hbm4b:s11+s15] =	stream.strided.scatter [tilespmem:s21], [sflag:$0x4], $0x1400, s16, s15, $0x38;
	[tilespmem:$0x1FF00] =	vst v63  }
0xdc: {  	_ =	swait.ge [sflag:s22], $0x1400  }
0xdd: {  	s25 =	simm.s32 $0xFFFFFFF8;
	[sflag:s22] =	ssyncset.done $0x0  }
0xde: {  	s26 =	simm.s32 $0x2870;
	s28 =	simm.s32 $0x1D740;
	[sflag:s22] =	ssyncadd.s32 $0xFFFFEC00  }
.LBB2_14:
0xdf: {  	v0 =	vld [tilespmem:s26+$0xFFFFFF90];
	_ =	sdelay $0x7  }
0xe0: {  	v0 =	vld.idx.msk [tilespmem:v0+s17+$0x0], $0xffff;
	_ =	sdelay $0x4  }
0xe1: {  	[tilespmem:s28+$0xFFFFFFC0] =	vst v0  }
0xe2: {  	v0 =	vld [tilespmem:s26+$0xFFFFFFA0];
	_ =	sdelay $0x7  }
0xe3: {  	v0 =	vld.idx.msk [tilespmem:v0+s17+$0x0], $0xffff;
	_ =	sdelay $0x4  }
0xe4: {  	[tilespmem:s28+$0xFFFFFFD0] =	vst v0  }
0xe5: {  	v0 =	vld [tilespmem:s26+$0xFFFFFFB0];
	_ =	sdelay $0x7  }
0xe6: {  	v0 =	vld.idx.msk [tilespmem:v0+s17+$0x0], $0xffff;
	_ =	sdelay $0x4  }
0xe7: {  	[tilespmem:s28+$0xFFFFFFE0] =	vst v0  }
0xe8: {  	v0 =	vld [tilespmem:s26+$0xFFFFFFC0];
	_ =	sdelay $0x7  }
0xe9: {  	v0 =	vld.idx.msk [tilespmem:v0+s17+$0x0], $0xffff;
	_ =	sdelay $0x4  }
0xea: {  	[tilespmem:s28+$0xFFFFFFF0] =	vst v0  }
0xeb: {  	v0 =	vld [tilespmem:s26+$0xFFFFFFD0];
	_ =	sdelay $0x7  }
0xec: {  	v0 =	vld.idx.msk [tilespmem:v0+s17+$0x0], $0xffff;
	_ =	sdelay $0x4  }
0xed: {  	[tilespmem:s28+$0x0] =	vst v0  }
0xee: {  	v0 =	vld [tilespmem:s26+$0xFFFFFFE0];
	_ =	sdelay $0x7  }
0xef: {  	v0 =	vld.idx.msk [tilespmem:v0+s17+$0x0], $0xffff;
	_ =	sdelay $0x4  }
0xf0: {  	[tilespmem:s28+$0x10] =	vst v0  }
0xf1: {  	v0 =	vld [tilespmem:s26+$0xFFFFFFF0];
	_ =	sdelay $0x7  }
0xf2: {  	v0 =	vld.idx.msk [tilespmem:v0+s17+$0x0], $0xffff;
	_ =	sdelay $0x4  }
0xf3: {  	[tilespmem:s28+$0x20] =	vst v0  }
0xf4: {  	v0 =	vld [tilespmem:s26+$0x0];
	_ =	sdelay $0x6  }
0xf5: {  	s25 =	sadd.s32 $0x8, s25  }
0xf6: {  	p0 =	slt.u32 s25, $0x138;
	v0 =	vld.idx.msk [tilespmem:v0+s17+$0x0], $0xffff  }
.Ltmp6:
0xf7: {  	_ = 	snop;
	(pc) =	sbr.rel @p0 .LBB2_14-.Ltmp6, $2  }
0xf8: {  	_ =	sdelay $0x2  }
0xf9: {  	s26 =	sadd.s32 $0x80, s26;
	[tilespmem:s28+$0x30] =	vst v0;
	s28 =	sadd.s32 $0x80, s28  }
0xfa: {  	[hbm4b:s12+s15] =	stream.strided.scatter [tilespmem:s20], [sflag:$0x3], $0x1400, s16, s15, $0x38;
	[tilespmem:$0x1FF00] =	vst v63  }
0xfb: {  	_ =	swait.ge [sflag:s23], $0x1400  }
0xfc: {  	s25 =	simm.s32 $0xFFFFFFF8;
	[sflag:s23] =	ssyncset.done $0x0  }
0xfd: {  	s26 =	simm.s32 $0x3C70;
	s28 =	simm.s32 $0x1EB40;
	[sflag:s23] =	ssyncadd.s32 $0xFFFFEC00  }
.LBB2_16:
0xfe: {  	v0 =	vld [tilespmem:s26+$0xFFFFFF90];
	_ =	sdelay $0x7  }
0xff: {  	v0 =	vld.idx.msk [tilespmem:v0+s17+$0x0], $0xffff;
	_ =	sdelay $0x4  }
0x100: {  	[tilespmem:s28+$0xFFFFFFC0] =	vst v0  }
0x101: {  	v0 =	vld [tilespmem:s26+$0xFFFFFFA0];
	_ =	sdelay $0x7  }
0x102: {  	v0 =	vld.idx.msk [tilespmem:v0+s17+$0x0], $0xffff;
	_ =	sdelay $0x4  }
0x103: {  	[tilespmem:s28+$0xFFFFFFD0] =	vst v0  }
0x104: {  	v0 =	vld [tilespmem:s26+$0xFFFFFFB0];
	_ =	sdelay $0x7  }
0x105: {  	v0 =	vld.idx.msk [tilespmem:v0+s17+$0x0], $0xffff;
	_ =	sdelay $0x4  }
0x106: {  	[tilespmem:s28+$0xFFFFFFE0] =	vst v0  }
0x107: {  	v0 =	vld [tilespmem:s26+$0xFFFFFFC0];
	_ =	sdelay $0x7  }
0x108: {  	v0 =	vld.idx.msk [tilespmem:v0+s17+$0x0], $0xffff;
	_ =	sdelay $0x4  }
0x109: {  	[tilespmem:s28+$0xFFFFFFF0] =	vst v0  }
0x10a: {  	v0 =	vld [tilespmem:s26+$0xFFFFFFD0];
	_ =	sdelay $0x7  }
0x10b: {  	v0 =	vld.idx.msk [tilespmem:v0+s17+$0x0], $0xffff;
	_ =	sdelay $0x4  }
0x10c: {  	[tilespmem:s28+$0x0] =	vst v0  }
0x10d: {  	v0 =	vld [tilespmem:s26+$0xFFFFFFE0];
	_ =	sdelay $0x7  }
0x10e: {  	v0 =	vld.idx.msk [tilespmem:v0+s17+$0x0], $0xffff;
	_ =	sdelay $0x4  }
0x10f: {  	[tilespmem:s28+$0x10] =	vst v0  }
0x110: {  	v0 =	vld [tilespmem:s26+$0xFFFFFFF0];
	_ =	sdelay $0x7  }
0x111: {  	v0 =	vld.idx.msk [tilespmem:v0+s17+$0x0], $0xffff;
	_ =	sdelay $0x4  }
0x112: {  	[tilespmem:s28+$0x20] =	vst v0  }
0x113: {  	v0 =	vld [tilespmem:s26+$0x0];
	_ =	sdelay $0x6  }
0x114: {  	s25 =	sadd.s32 $0x8, s25  }
0x115: {  	p0 =	slt.u32 s25, $0x138;
	v0 =	vld.idx.msk [tilespmem:v0+s17+$0x0], $0xffff  }
.Ltmp7:
0x116: {  	_ = 	snop;
	(pc) =	sbr.rel @p0 .LBB2_16-.Ltmp7, $2  }
0x117: {  	_ =	sdelay $0x2  }
0x118: {  	s26 =	sadd.s32 $0x80, s26;
	[tilespmem:s28+$0x30] =	vst v0;
	s28 =	sadd.s32 $0x80, s28  }
0x119: {  	[hbm4b:s13+s15] =	stream.strided.scatter [tilespmem:s21], [sflag:$0x4], $0x1400, s16, s15, $0x38;
	[tilespmem:$0x1FF00] =	vst v63  }
0x11a: {  	s24 =	sadd.s32 $0x1, s24  }
0x11b: {  	_ =	swait.ge [sflag:s22], $0x1400;
	p0 =	sne.s32 s24, s14  }
.Ltmp8:
0x11c: {  	[sflag:s22] =	ssyncset.done $0x0;
	(pc) =	sbr.rel @p0 .LBB2_1-.Ltmp8, $4  }
0x11d: {  	[sflag:s22] =	ssyncadd.s32 $0xFFFFEC00  }
0x11e: {  	_ =	swait.ge [sflag:s23], $0x1400  }
0x11f: {  	[sflag:s23] =	ssyncset.done $0x0  }
0x120: {  	[sflag:s23] =	ssyncadd.s32 $0xFFFFEC00  }
0x121: {  	_ =	sfence.sel $0x180000  }
0x122: {  	[bflag:$0x0] =	sbarrier.arrive $0xFFFF  }
0x123: {  	p0 =	sne.s32 s2, $0x0;
	_ =	strace $0x90000047  }
0x124: {  	s0 =	sadd.s32 @!p0 $0x100000, s0;
	[bflag:$0x2] =	sbarrier.arrive $0xFFFF  }
0x125: {  	[sflag:s0] =	ssyncadd.tile.s32 @!p0 $0x1;
	_ =	shalt  }
.Lfunc_end2:
_tile_overlayer_lowered:
.L_overlay_start_2:
0x126: {  	(tag) =	ssettag $0x2  }
0x127: {  	s0 =	rddreg [dreg:$0x0];
	s2 =	stileid.u32  }
0x128: {  	s1 =	rddreg [dreg:$0x1];
	p0 =	sne.s32 s2, $0x0  }
0x129: {  	s3 =	rddreg [dreg:$0x2];
	[bflag:$0x3] =	sbarrier.arrive $0xFFFF;
	s2 =	simm.s32 @!p0 $0x1C05  }
0x12a: {  	[timem:s3], [sflag:s2] =	dma.local @!p0 [hbm:s0], s1  }
0x12b: {  	s0 =	simm.s32 @!p0 $0x5  }
0x12c: {  	_ =	swait.ge @!p0 [sflag:s0], s1  }
0x12d: {  	s1 =	ssub.s32 @!p0 $0x0, s1;
	[sflag:s0] =	ssyncset.done @!p0 $0x0  }
0x12e: {  	[sflag:s0] =	ssyncadd.s32 @!p0 s1  }
0x12f: {  	[bflag:$0x3] =	sbarrier.arrive $0xFFFF  }
0x130: {  	_ =	shalt  }

</sc_bundles>
